<compile_context>
chip_gen: v7x
topology: tpu7x:2x2x1
jax: 0.10.2.dev20260603
libtpu: 0.0.44.dev20260713+nightly
codegen_flags: <defaults>
</compile_context>

<pallas_src>
import functools

import jax
import jax.numpy as jnp
from jax import lax
from jax.experimental import pallas as pl
from jax.experimental.pallas import tpu as pltpu
from jax.experimental.pallas import tpu_sc as plsc

B = 16384
D = 64
DP = 2 * D
NW = 32
BPW = B // NW
C = 128
NCHUNK = BPW // C


def _sc_gather_body(uidx, midx, eu_mf, em_mf, eu_mlp, em_mlp,
                    o_umf, o_mmf, o_umlp, o_mmlp,
                    uiv, miv, bu_mf, bm_mf, bu_mlp, bm_mlp, sem):
    wid = lax.axis_index("s") * 2 + lax.axis_index("c")
    base = wid * BPW
    for c in range(NCHUNK):
        off = base + c * C
        pltpu.sync_copy(uidx.at[pl.ds(off, C)], uiv)
        pltpu.sync_copy(midx.at[pl.ds(off, C)], miv)
        d0 = pltpu.async_copy(eu_mf.at[uiv], bu_mf, sem)
        d1 = pltpu.async_copy(em_mf.at[miv], bm_mf, sem)
        d2 = pltpu.async_copy(eu_mlp.at[uiv], bu_mlp, sem)
        d3 = pltpu.async_copy(em_mlp.at[miv], bm_mlp, sem)
        d0.wait()
        d1.wait()
        d2.wait()
        d3.wait()
        pltpu.sync_copy(bu_mf, o_umf.at[pl.ds(off, C)])
        pltpu.sync_copy(bm_mf, o_mmf.at[pl.ds(off, C)])
        pltpu.sync_copy(bu_mlp, o_umlp.at[pl.ds(off, C)])
        pltpu.sync_copy(bm_mlp, o_mmlp.at[pl.ds(off, C)])


_pair = jax.ShapeDtypeStruct((B, DP), jnp.float32)
_sc_gather = functools.partial(
    pl.kernel,
    out_type=(_pair, _pair, _pair, _pair),
    mesh=plsc.VectorSubcoreMesh(core_axis_name="c", subcore_axis_name="s"),
    scratch_types=[
        pltpu.VMEM((C,), jnp.int32),
        pltpu.VMEM((C,), jnp.int32),
        pltpu.VMEM((C, DP), jnp.float32),
        pltpu.VMEM((C, DP), jnp.float32),
        pltpu.VMEM((C, DP), jnp.float32),
        pltpu.VMEM((C, DP), jnp.float32),
        pltpu.SemaphoreType.DMA,
    ],
)(_sc_gather_body)


BB = 1024
GRID = B // BB


def _tc_mlp_body(upar, mpar, umf_p, mmf_p, umlp_p, mmlp_p,
                 w1u, w1m, b1, w2, b2, w3, b3, w4, b4,
                 wf_mf, wf_h, bf, out):
    usel = upar[...] > 0
    msel = mpar[...] > 0

    def pick(pair, sel):
        return jnp.where(sel, pair[:, D:], pair[:, :D])

    mf = pick(umf_p[...], usel) * pick(mmf_p[...], msel)
    umlp = pick(umlp_p[...], usel)
    mmlp = pick(mmlp_p[...], msel)
    h = jnp.maximum(
        jnp.dot(umlp, w1u[...], preferred_element_type=jnp.float32)
        + jnp.dot(mmlp, w1m[...], preferred_element_type=jnp.float32)
        + b1[...], 0.0)
    h = jnp.maximum(jnp.dot(h, w2[...], preferred_element_type=jnp.float32) + b2[...], 0.0)
    h = jnp.maximum(jnp.dot(h, w3[...], preferred_element_type=jnp.float32) + b3[...], 0.0)
    h = jnp.maximum(jnp.dot(h, w4[...], preferred_element_type=jnp.float32) + b4[...], 0.0)
    pred = (jnp.sum(mf * wf_mf[...], axis=-1)
            + jnp.sum(h * wf_h[...], axis=-1) + bf[0, 0])
    out[...] = jax.nn.sigmoid(pred)


def _const2d(shape):
    return pl.BlockSpec(shape, lambda i: (0, 0))


def kernel(user_indices, movie_indices, Eu_mf, Em_mf, Eu_mlp, Em_mlp,
           W1, b1, W2, b2, W3, b3, W4, b4, Wf, bf):
    upair_idx = lax.div(user_indices, 2)
    mpair_idx = lax.div(movie_indices, 2)
    ue_mf, me_mf, ue_mlp, me_mlp = _sc_gather(
        upair_idx, mpair_idx,
        Eu_mf.reshape(-1, DP), Em_mf.reshape(-1, DP),
        Eu_mlp.reshape(-1, DP), Em_mlp.reshape(-1, DP))

    par_spec = pl.BlockSpec((BB, 1), lambda i: (i, 0))
    pair_spec = pl.BlockSpec((BB, DP), lambda i: (i, 0))
    out = pl.pallas_call(
        _tc_mlp_body,
        grid=(GRID,),
        in_specs=[
            par_spec, par_spec,
            pair_spec, pair_spec, pair_spec, pair_spec,
            _const2d((D, 128)), _const2d((D, 128)), _const2d((1, 128)),
            _const2d((128, 64)), _const2d((1, 64)),
            _const2d((64, 32)), _const2d((1, 32)),
            _const2d((32, 16)), _const2d((1, 16)),
            _const2d((1, D)), _const2d((1, 16)), _const2d((1, 1)),
        ],
        out_specs=pl.BlockSpec((BB,), lambda i: (i,)),
        out_shape=jax.ShapeDtypeStruct((B,), jnp.float32),
        compiler_params=pltpu.CompilerParams(
            dimension_semantics=("arbitrary",),
        ),
    )(
        lax.rem(user_indices, 2).reshape(B, 1),
        lax.rem(movie_indices, 2).reshape(B, 1),
        ue_mf, me_mf, ue_mlp, me_mlp,
        W1[:D], W1[D:], b1.reshape(1, 128),
        W2, b2.reshape(1, 64),
        W3, b3.reshape(1, 32),
        W4, b4.reshape(1, 16),
        Wf[:D, 0].reshape(1, D), Wf[D:, 0].reshape(1, 16), bf.reshape(1, 1),
    )
    return out

# --- scband reference (transcript-rebuilt; emitter-appended) ---
"""Pipeline reference for scband-neu-mf-17703855194260 (READ-ONLY COPY).

The authoritative reference and input builder live on the scoring server;
editing this copy changes nothing except your own understanding.
"""

import jax, jax.numpy as jnp
import numpy as np

NUM_USERS = 1000000
NUM_MOVIES = 100000
LATENT_DIM = 64
BATCH = 16384


def setup_inputs(seed: int = 0) -> dict:
    key = jax.random.key(seed)
    ks = jax.random.split(key, 20)
    user_indices = jax.random.randint(ks[0], (BATCH,), 0, NUM_USERS, dtype=jnp.int64 if jax.config.jax_enable_x64 else jnp.int32)
    movie_indices = jax.random.randint(ks[1], (BATCH,), 0, NUM_MOVIES, dtype=jnp.int64 if jax.config.jax_enable_x64 else jnp.int32)
    Eu_mf = jax.random.normal(ks[2], (NUM_USERS, LATENT_DIM), dtype=jnp.float32) * 0.01
    Em_mf = jax.random.normal(ks[3], (NUM_MOVIES, LATENT_DIM), dtype=jnp.float32) * 0.01
    Eu_mlp = jax.random.normal(ks[4], (NUM_USERS, LATENT_DIM), dtype=jnp.float32) * 0.01
    Em_mlp = jax.random.normal(ks[5], (NUM_MOVIES, LATENT_DIM), dtype=jnp.float32) * 0.01
    def lin(k, fan_in, fan_out):
        bound = 1.0 / np.sqrt(fan_in)
        kw, kb = jax.random.split(k)
        W = jax.random.uniform(kw, (fan_in, fan_out), dtype=jnp.float32, minval=-bound, maxval=bound)
        b = jax.random.uniform(kb, (fan_out,), dtype=jnp.float32, minval=-bound, maxval=bound)
        return W, b
    W1, b1 = lin(ks[6], LATENT_DIM * 2, 128)
    W2, b2 = lin(ks[7], 128, 64)
    W3, b3 = lin(ks[8], 64, 32)
    W4, b4 = lin(ks[9], 32, 16)
    Wf, bf = lin(ks[10], LATENT_DIM + 16, 1)
    return {
        "user_indices": user_indices, "movie_indices": movie_indices,
        "Eu_mf": Eu_mf, "Em_mf": Em_mf, "Eu_mlp": Eu_mlp, "Em_mlp": Em_mlp,
        "W1": W1, "b1": b1, "W2": W2, "b2": b2,
        "W3": W3, "b3": b3, "W4": W4, "b4": b4,
        "Wf": Wf, "bf": bf,
    }


def reference(user_indices, movie_indices, Eu_mf, Em_mf, Eu_mlp, Em_mlp,
              W1, b1, W2, b2, W3, b3, W4, b4, Wf, bf):
    ue_mf = jnp.take(Eu_mf, user_indices, axis=0)
    me_mf = jnp.take(Em_mf, movie_indices, axis=0)
    mf_vector = ue_mf * me_mf
    ue_mlp = jnp.take(Eu_mlp, user_indices, axis=0)
    me_mlp = jnp.take(Em_mlp, movie_indices, axis=0)
    h = jnp.concatenate([ue_mlp, me_mlp], axis=-1)
    h = jax.nn.relu(h @ W1 + b1)
    h = jax.nn.relu(h @ W2 + b2)
    h = jax.nn.relu(h @ W3 + b3)
    h = jax.nn.relu(h @ W4 + b4)
    fusion = jnp.concatenate([mf_vector, h], axis=-1)
    pred = fusion @ Wf + bf
    return jax.nn.sigmoid(pred).squeeze(-1)

if __name__ == "__main__":
    import jax
    _d = setup_inputs()
    print(jax.jit(kernel)(*tuple(_d.values())))

</pallas_src>

<mosaic_0001>
#map = affine_map<(d0, d1) -> (0)>
#map1 = affine_map<(d0, d1) -> (0, 0)>
module attributes {stable_mosaic.version = 14 : i64} {
  func.func @_sc_gather_body(%arg0: i32, %arg1: i32, %arg2: memref<16384xi32, #tpu.memory_space<hbm>>, %arg3: memref<16384xi32, #tpu.memory_space<hbm>>, %arg4: memref<500000x128xf32, #tpu.memory_space<hbm>>, %arg5: memref<50000x128xf32, #tpu.memory_space<hbm>>, %arg6: memref<500000x128xf32, #tpu.memory_space<hbm>>, %arg7: memref<50000x128xf32, #tpu.memory_space<hbm>>, %arg8: memref<16384x128xf32, #tpu.memory_space<hbm>>, %arg9: memref<16384x128xf32, #tpu.memory_space<hbm>>, %arg10: memref<16384x128xf32, #tpu.memory_space<hbm>>, %arg11: memref<16384x128xf32, #tpu.memory_space<hbm>>, %arg12: memref<128xi32, #tpu.memory_space<vmem>>, %arg13: memref<128xi32, #tpu.memory_space<vmem>>, %arg14: memref<128x128xf32, #tpu.memory_space<vmem>>, %arg15: memref<128x128xf32, #tpu.memory_space<vmem>>, %arg16: memref<128x128xf32, #tpu.memory_space<vmem>>, %arg17: memref<128x128xf32, #tpu.memory_space<vmem>>, %arg18: memref<!tpu.dma_semaphore, #tpu.memory_space<semaphore_mem>>) attributes {dimension_semantics = [#tpu.dimension_semantics<core_parallel>, #tpu.dimension_semantics<subcore_parallel>], iteration_bounds = array<i64: 2, 16>, scalar_prefetch = 0 : i64, scratch_operands = 7 : i64, tpu.core_type = #tpu.core_type<sc_vector_subcore>, window_params = [{transform_indices = #map}, {transform_indices = #map}, {transform_indices = #map1}, {transform_indices = #map1}, {transform_indices = #map1}, {transform_indices = #map1}, {transform_indices = #map1}, {transform_indices = #map1}, {transform_indices = #map1}, {transform_indices = #map1}]} {
    %mul3A = arith.constant 2 : i32
    %mul3A_0 = arith.muli %arg1, %mul3A : i32
    %add3A = arith.addi %mul3A_0, %arg0 : i32
    %mul3A_1 = arith.constant 512 : i32
    %mul3A_2 = arith.muli %add3A, %mul3A_1 : i32
    %add3A_3 = arith.constant 0 : i32
    %add3A_4 = arith.addi %mul3A_2, %add3A_3 : i32
    "tpu.region"() ({
      %run_scoped3A = tpu.sem_alloc : memref<!tpu.dma_semaphore, #tpu.memory_space<semaphore_mem>>
      %dma_start3A_105 = tpu.memref_slice %arg2[%add3A_4] : memref<16384xi32, #tpu.memory_space<hbm>> -> memref<128xi32, #tpu.memory_space<hbm>>
      %dma_start3A_106 = tpu.memref_slice %arg2[%add3A_4] : memref<16384xi32, #tpu.memory_space<hbm>> -> memref<128xi32, #tpu.memory_space<hbm>>
      tpu.enqueue_dma source(%dma_start3A_106 : memref<128xi32, #tpu.memory_space<hbm>>) target(%arg12 : memref<128xi32, #tpu.memory_space<vmem>>) target_semaphore(%run_scoped3A : memref<!tpu.dma_semaphore, #tpu.memory_space<semaphore_mem>>)
      %dma_wait3A_107 = tpu.memref_slice %arg2[%add3A_4] : memref<16384xi32, #tpu.memory_space<hbm>> -> memref<128xi32, #tpu.memory_space<hbm>>
      %dma_wait3A_108 = tpu.memref_slice %arg2[%add3A_4] : memref<16384xi32, #tpu.memory_space<hbm>> -> memref<128xi32, #tpu.memory_space<hbm>>
      tpu.wait_dma2 semaphore(%run_scoped3A : memref<!tpu.dma_semaphore, #tpu.memory_space<semaphore_mem>>) src(%dma_wait3A_108 : memref<128xi32, #tpu.memory_space<hbm>>) dst(%arg12 : memref<128xi32, #tpu.memory_space<vmem>>)
      tpu.yield
    }) : () -> ()
    "tpu.region"() ({
      %run_scoped3A = tpu.sem_alloc : memref<!tpu.dma_semaphore, #tpu.memory_space<semaphore_mem>>
      %dma_start3A_105 = tpu.memref_slice %arg3[%add3A_4] : memref<16384xi32, #tpu.memory_space<hbm>> -> memref<128xi32, #tpu.memory_space<hbm>>
      %dma_start3A_106 = tpu.memref_slice %arg3[%add3A_4] : memref<16384xi32, #tpu.memory_space<hbm>> -> memref<128xi32, #tpu.memory_space<hbm>>
      tpu.enqueue_dma source(%dma_start3A_106 : memref<128xi32, #tpu.memory_space<hbm>>) target(%arg13 : memref<128xi32, #tpu.memory_space<vmem>>) target_semaphore(%run_scoped3A : memref<!tpu.dma_semaphore, #tpu.memory_space<semaphore_mem>>)
      %dma_wait3A_107 = tpu.memref_slice %arg3[%add3A_4] : memref<16384xi32, #tpu.memory_space<hbm>> -> memref<128xi32, #tpu.memory_space<hbm>>
      %dma_wait3A_108 = tpu.memref_slice %arg3[%add3A_4] : memref<16384xi32, #tpu.memory_space<hbm>> -> memref<128xi32, #tpu.memory_space<hbm>>
      tpu.wait_dma2 semaphore(%run_scoped3A : memref<!tpu.dma_semaphore, #tpu.memory_space<semaphore_mem>>) src(%dma_wait3A_108 : memref<128xi32, #tpu.memory_space<hbm>>) dst(%arg13 : memref<128xi32, #tpu.memory_space<vmem>>)
      tpu.yield
    }) : () -> ()
    %dma_start3A = arith.constant 0 : i32
    %dma_start3A_5 = arith.constant 0 : i32
    %dma_start3A_6 = tpu.memref_slice %arg4[%dma_start3A, %dma_start3A_5] : memref<500000x128xf32, #tpu.memory_space<hbm>> -> memref<500000x128xf32, #tpu.memory_space<hbm>>
    tpu.enqueue_indirect_dma source(%dma_start3A_6 : memref<500000x128xf32, #tpu.memory_space<hbm>>) target(%arg14 : memref<128x128xf32, #tpu.memory_space<vmem>>) offsets(%arg12 : memref<128xi32, #tpu.memory_space<vmem>>) semaphore(%arg18 : memref<!tpu.dma_semaphore, #tpu.memory_space<semaphore_mem>>)
    %dma_start3A_7 = arith.constant 0 : i32
    %dma_start3A_8 = arith.constant 0 : i32
    %dma_start3A_9 = tpu.memref_slice %arg5[%dma_start3A_7, %dma_start3A_8] : memref<50000x128xf32, #tpu.memory_space<hbm>> -> memref<50000x128xf32, #tpu.memory_space<hbm>>
    tpu.enqueue_indirect_dma source(%dma_start3A_9 : memref<50000x128xf32, #tpu.memory_space<hbm>>) target(%arg15 : memref<128x128xf32, #tpu.memory_space<vmem>>) offsets(%arg13 : memref<128xi32, #tpu.memory_space<vmem>>) semaphore(%arg18 : memref<!tpu.dma_semaphore, #tpu.memory_space<semaphore_mem>>)
    %dma_start3A_10 = arith.constant 0 : i32
    %dma_start3A_11 = arith.constant 0 : i32
    %dma_start3A_12 = tpu.memref_slice %arg6[%dma_start3A_10, %dma_start3A_11] : memref<500000x128xf32, #tpu.memory_space<hbm>> -> memref<500000x128xf32, #tpu.memory_space<hbm>>
    tpu.enqueue_indirect_dma source(%dma_start3A_12 : memref<500000x128xf32, #tpu.memory_space<hbm>>) target(%arg16 : memref<128x128xf32, #tpu.memory_space<vmem>>) offsets(%arg12 : memref<128xi32, #tpu.memory_space<vmem>>) semaphore(%arg18 : memref<!tpu.dma_semaphore, #tpu.memory_space<semaphore_mem>>)
    %dma_start3A_13 = arith.constant 0 : i32
    %dma_start3A_14 = arith.constant 0 : i32
    %dma_start3A_15 = tpu.memref_slice %arg7[%dma_start3A_13, %dma_start3A_14] : memref<50000x128xf32, #tpu.memory_space<hbm>> -> memref<50000x128xf32, #tpu.memory_space<hbm>>
    tpu.enqueue_indirect_dma source(%dma_start3A_15 : memref<50000x128xf32, #tpu.memory_space<hbm>>) target(%arg17 : memref<128x128xf32, #tpu.memory_space<vmem>>) offsets(%arg13 : memref<128xi32, #tpu.memory_space<vmem>>) semaphore(%arg18 : memref<!tpu.dma_semaphore, #tpu.memory_space<semaphore_mem>>)
    %dma_wait3A = arith.constant 0 : i32
    %dma_wait3A_16 = arith.constant 0 : i32
    %dma_wait3A_17 = tpu.memref_slice %arg4[%dma_wait3A, %dma_wait3A_16] : memref<500000x128xf32, #tpu.memory_space<hbm>> -> memref<500000x128xf32, #tpu.memory_space<hbm>>
    tpu.wait_indirect_dma semaphore(%arg18 : memref<!tpu.dma_semaphore, #tpu.memory_space<semaphore_mem>>) src(%dma_wait3A_17 : memref<500000x128xf32, #tpu.memory_space<hbm>>) dst(%arg14 : memref<128x128xf32, #tpu.memory_space<vmem>>)
    %dma_wait3A_18 = arith.constant 0 : i32
    %dma_wait3A_19 = arith.constant 0 : i32
    %dma_wait3A_20 = tpu.memref_slice %arg5[%dma_wait3A_18, %dma_wait3A_19] : memref<50000x128xf32, #tpu.memory_space<hbm>> -> memref<50000x128xf32, #tpu.memory_space<hbm>>
    tpu.wait_indirect_dma semaphore(%arg18 : memref<!tpu.dma_semaphore, #tpu.memory_space<semaphore_mem>>) src(%dma_wait3A_20 : memref<50000x128xf32, #tpu.memory_space<hbm>>) dst(%arg15 : memref<128x128xf32, #tpu.memory_space<vmem>>)
    %dma_wait3A_21 = arith.constant 0 : i32
    %dma_wait3A_22 = arith.constant 0 : i32
    %dma_wait3A_23 = tpu.memref_slice %arg6[%dma_wait3A_21, %dma_wait3A_22] : memref<500000x128xf32, #tpu.memory_space<hbm>> -> memref<500000x128xf32, #tpu.memory_space<hbm>>
    tpu.wait_indirect_dma semaphore(%arg18 : memref<!tpu.dma_semaphore, #tpu.memory_space<semaphore_mem>>) src(%dma_wait3A_23 : memref<500000x128xf32, #tpu.memory_space<hbm>>) dst(%arg16 : memref<128x128xf32, #tpu.memory_space<vmem>>)
    %dma_wait3A_24 = arith.constant 0 : i32
    %dma_wait3A_25 = arith.constant 0 : i32
    %dma_wait3A_26 = tpu.memref_slice %arg7[%dma_wait3A_24, %dma_wait3A_25] : memref<50000x128xf32, #tpu.memory_space<hbm>> -> memref<50000x128xf32, #tpu.memory_space<hbm>>
    tpu.wait_indirect_dma semaphore(%arg18 : memref<!tpu.dma_semaphore, #tpu.memory_space<semaphore_mem>>) src(%dma_wait3A_26 : memref<50000x128xf32, #tpu.memory_space<hbm>>) dst(%arg17 : memref<128x128xf32, #tpu.memory_space<vmem>>)
    "tpu.region"() ({
      %run_scoped3A = tpu.sem_alloc : memref<!tpu.dma_semaphore, #tpu.memory_space<semaphore_mem>>
      %dma_start3A_105 = arith.constant 0 : i32
      %dma_start3A_106 = tpu.memref_slice %arg8[%add3A_4, %dma_start3A_105] : memref<16384x128xf32, #tpu.memory_space<hbm>> -> memref<128x128xf32, #tpu.memory_space<hbm>>
      %dma_start3A_107 = arith.constant 0 : i32
      %dma_start3A_108 = tpu.memref_slice %arg8[%add3A_4, %dma_start3A_107] : memref<16384x128xf32, #tpu.memory_space<hbm>> -> memref<128x128xf32, #tpu.memory_space<hbm>>
      tpu.enqueue_dma source(%arg14 : memref<128x128xf32, #tpu.memory_space<vmem>>) target(%dma_start3A_108 : memref<128x128xf32, #tpu.memory_space<hbm>>) target_semaphore(%run_scoped3A : memref<!tpu.dma_semaphore, #tpu.memory_space<semaphore_mem>>)
      %dma_wait3A_109 = arith.constant 0 : i32
      %dma_wait3A_110 = tpu.memref_slice %arg8[%add3A_4, %dma_wait3A_109] : memref<16384x128xf32, #tpu.memory_space<hbm>> -> memref<128x128xf32, #tpu.memory_space<hbm>>
      %dma_wait3A_111 = arith.constant 0 : i32
      %dma_wait3A_112 = tpu.memref_slice %arg8[%add3A_4, %dma_wait3A_111] : memref<16384x128xf32, #tpu.memory_space<hbm>> -> memref<128x128xf32, #tpu.memory_space<hbm>>
      tpu.wait_dma2 semaphore(%run_scoped3A : memref<!tpu.dma_semaphore, #tpu.memory_space<semaphore_mem>>) src(%arg14 : memref<128x128xf32, #tpu.memory_space<vmem>>) dst(%dma_wait3A_112 : memref<128x128xf32, #tpu.memory_space<hbm>>)
      tpu.yield
    }) : () -> ()
    "tpu.region"() ({
      %run_scoped3A = tpu.sem_alloc : memref<!tpu.dma_semaphore, #tpu.memory_space<semaphore_mem>>
      %dma_start3A_105 = arith.constant 0 : i32
      %dma_start3A_106 = tpu.memref_slice %arg9[%add3A_4, %dma_start3A_105] : memref<16384x128xf32, #tpu.memory_space<hbm>> -> memref<128x128xf32, #tpu.memory_space<hbm>>
      %dma_start3A_107 = arith.constant 0 : i32
      %dma_start3A_108 = tpu.memref_slice %arg9[%add3A_4, %dma_start3A_107] : memref<16384x128xf32, #tpu.memory_space<hbm>> -> memref<128x128xf32, #tpu.memory_space<hbm>>
      tpu.enqueue_dma source(%arg15 : memref<128x128xf32, #tpu.memory_space<vmem>>) target(%dma_start3A_108 : memref<128x128xf32, #tpu.memory_space<hbm>>) target_semaphore(%run_scoped3A : memref<!tpu.dma_semaphore, #tpu.memory_space<semaphore_mem>>)
      %dma_wait3A_109 = arith.constant 0 : i32
      %dma_wait3A_110 = tpu.memref_slice %arg9[%add3A_4, %dma_wait3A_109] : memref<16384x128xf32, #tpu.memory_space<hbm>> -> memref<128x128xf32, #tpu.memory_space<hbm>>
      %dma_wait3A_111 = arith.constant 0 : i32
      %dma_wait3A_112 = tpu.memref_slice %arg9[%add3A_4, %dma_wait3A_111] : memref<16384x128xf32, #tpu.memory_space<hbm>> -> memref<128x128xf32, #tpu.memory_space<hbm>>
      tpu.wait_dma2 semaphore(%run_scoped3A : memref<!tpu.dma_semaphore, #tpu.memory_space<semaphore_mem>>) src(%arg15 : memref<128x128xf32, #tpu.memory_space<vmem>>) dst(%dma_wait3A_112 : memref<128x128xf32, #tpu.memory_space<hbm>>)
      tpu.yield
    }) : () -> ()
    "tpu.region"() ({
      %run_scoped3A = tpu.sem_alloc : memref<!tpu.dma_semaphore, #tpu.memory_space<semaphore_mem>>
      %dma_start3A_105 = arith.constant 0 : i32
      %dma_start3A_106 = tpu.memref_slice %arg10[%add3A_4, %dma_start3A_105] : memref<16384x128xf32, #tpu.memory_space<hbm>> -> memref<128x128xf32, #tpu.memory_space<hbm>>
      %dma_start3A_107 = arith.constant 0 : i32
      %dma_start3A_108 = tpu.memref_slice %arg10[%add3A_4, %dma_start3A_107] : memref<16384x128xf32, #tpu.memory_space<hbm>> -> memref<128x128xf32, #tpu.memory_space<hbm>>
      tpu.enqueue_dma source(%arg16 : memref<128x128xf32, #tpu.memory_space<vmem>>) target(%dma_start3A_108 : memref<128x128xf32, #tpu.memory_space<hbm>>) target_semaphore(%run_scoped3A : memref<!tpu.dma_semaphore, #tpu.memory_space<semaphore_mem>>)
      %dma_wait3A_109 = arith.constant 0 : i32
      %dma_wait3A_110 = tpu.memref_slice %arg10[%add3A_4, %dma_wait3A_109] : memref<16384x128xf32, #tpu.memory_space<hbm>> -> memref<128x128xf32, #tpu.memory_space<hbm>>
      %dma_wait3A_111 = arith.constant 0 : i32
      %dma_wait3A_112 = tpu.memref_slice %arg10[%add3A_4, %dma_wait3A_111] : memref<16384x128xf32, #tpu.memory_space<hbm>> -> memref<128x128xf32, #tpu.memory_space<hbm>>
      tpu.wait_dma2 semaphore(%run_scoped3A : memref<!tpu.dma_semaphore, #tpu.memory_space<semaphore_mem>>) src(%arg16 : memref<128x128xf32, #tpu.memory_space<vmem>>) dst(%dma_wait3A_112 : memref<128x128xf32, #tpu.memory_space<hbm>>)
      tpu.yield
    }) : () -> ()
    "tpu.region"() ({
      %run_scoped3A = tpu.sem_alloc : memref<!tpu.dma_semaphore, #tpu.memory_space<semaphore_mem>>
      %dma_start3A_105 = arith.constant 0 : i32
      %dma_start3A_106 = tpu.memref_slice %arg11[%add3A_4, %dma_start3A_105] : memref<16384x128xf32, #tpu.memory_space<hbm>> -> memref<128x128xf32, #tpu.memory_space<hbm>>
      %dma_start3A_107 = arith.constant 0 : i32
      %dma_start3A_108 = tpu.memref_slice %arg11[%add3A_4, %dma_start3A_107] : memref<16384x128xf32, #tpu.memory_space<hbm>> -> memref<128x128xf32, #tpu.memory_space<hbm>>
      tpu.enqueue_dma source(%arg17 : memref<128x128xf32, #tpu.memory_space<vmem>>) target(%dma_start3A_108 : memref<128x128xf32, #tpu.memory_space<hbm>>) target_semaphore(%run_scoped3A : memref<!tpu.dma_semaphore, #tpu.memory_space<semaphore_mem>>)
      %dma_wait3A_109 = arith.constant 0 : i32
      %dma_wait3A_110 = tpu.memref_slice %arg11[%add3A_4, %dma_wait3A_109] : memref<16384x128xf32, #tpu.memory_space<hbm>> -> memref<128x128xf32, #tpu.memory_space<hbm>>
      %dma_wait3A_111 = arith.constant 0 : i32
      %dma_wait3A_112 = tpu.memref_slice %arg11[%add3A_4, %dma_wait3A_111] : memref<16384x128xf32, #tpu.memory_space<hbm>> -> memref<128x128xf32, #tpu.memory_space<hbm>>
      tpu.wait_dma2 semaphore(%run_scoped3A : memref<!tpu.dma_semaphore, #tpu.memory_space<semaphore_mem>>) src(%arg17 : memref<128x128xf32, #tpu.memory_space<vmem>>) dst(%dma_wait3A_112 : memref<128x128xf32, #tpu.memory_space<hbm>>)
      tpu.yield
    }) : () -> ()
    %add3A_27 = arith.constant 128 : i32
    %add3A_28 = arith.addi %mul3A_2, %add3A_27 : i32
    "tpu.region"() ({
      %run_scoped3A = tpu.sem_alloc : memref<!tpu.dma_semaphore, #tpu.memory_space<semaphore_mem>>
      %dma_start3A_105 = tpu.memref_slice %arg2[%add3A_28] : memref<16384xi32, #tpu.memory_space<hbm>> -> memref<128xi32, #tpu.memory_space<hbm>>
      %dma_start3A_106 = tpu.memref_slice %arg2[%add3A_28] : memref<16384xi32, #tpu.memory_space<hbm>> -> memref<128xi32, #tpu.memory_space<hbm>>
      tpu.enqueue_dma source(%dma_start3A_106 : memref<128xi32, #tpu.memory_space<hbm>>) target(%arg12 : memref<128xi32, #tpu.memory_space<vmem>>) target_semaphore(%run_scoped3A : memref<!tpu.dma_semaphore, #tpu.memory_space<semaphore_mem>>)
      %dma_wait3A_107 = tpu.memref_slice %arg2[%add3A_28] : memref<16384xi32, #tpu.memory_space<hbm>> -> memref<128xi32, #tpu.memory_space<hbm>>
      %dma_wait3A_108 = tpu.memref_slice %arg2[%add3A_28] : memref<16384xi32, #tpu.memory_space<hbm>> -> memref<128xi32, #tpu.memory_space<hbm>>
      tpu.wait_dma2 semaphore(%run_scoped3A : memref<!tpu.dma_semaphore, #tpu.memory_space<semaphore_mem>>) src(%dma_wait3A_108 : memref<128xi32, #tpu.memory_space<hbm>>) dst(%arg12 : memref<128xi32, #tpu.memory_space<vmem>>)
      tpu.yield
    }) : () -> ()
    "tpu.region"() ({
      %run_scoped3A = tpu.sem_alloc : memref<!tpu.dma_semaphore, #tpu.memory_space<semaphore_mem>>
      %dma_start3A_105 = tpu.memref_slice %arg3[%add3A_28] : memref<16384xi32, #tpu.memory_space<hbm>> -> memref<128xi32, #tpu.memory_space<hbm>>
      %dma_start3A_106 = tpu.memref_slice %arg3[%add3A_28] : memref<16384xi32, #tpu.memory_space<hbm>> -> memref<128xi32, #tpu.memory_space<hbm>>
      tpu.enqueue_dma source(%dma_start3A_106 : memref<128xi32, #tpu.memory_space<hbm>>) target(%arg13 : memref<128xi32, #tpu.memory_space<vmem>>) target_semaphore(%run_scoped3A : memref<!tpu.dma_semaphore, #tpu.memory_space<semaphore_mem>>)
      %dma_wait3A_107 = tpu.memref_slice %arg3[%add3A_28] : memref<16384xi32, #tpu.memory_space<hbm>> -> memref<128xi32, #tpu.memory_space<hbm>>
      %dma_wait3A_108 = tpu.memref_slice %arg3[%add3A_28] : memref<16384xi32, #tpu.memory_space<hbm>> -> memref<128xi32, #tpu.memory_space<hbm>>
      tpu.wait_dma2 semaphore(%run_scoped3A : memref<!tpu.dma_semaphore, #tpu.memory_space<semaphore_mem>>) src(%dma_wait3A_108 : memref<128xi32, #tpu.memory_space<hbm>>) dst(%arg13 : memref<128xi32, #tpu.memory_space<vmem>>)
      tpu.yield
    }) : () -> ()
    %dma_start3A_29 = arith.constant 0 : i32
    %dma_start3A_30 = arith.constant 0 : i32
    %dma_start3A_31 = tpu.memref_slice %arg4[%dma_start3A_29, %dma_start3A_30] : memref<500000x128xf32, #tpu.memory_space<hbm>> -> memref<500000x128xf32, #tpu.memory_space<hbm>>
    tpu.enqueue_indirect_dma source(%dma_start3A_31 : memref<500000x128xf32, #tpu.memory_space<hbm>>) target(%arg14 : memref<128x128xf32, #tpu.memory_space<vmem>>) offsets(%arg12 : memref<128xi32, #tpu.memory_space<vmem>>) semaphore(%arg18 : memref<!tpu.dma_semaphore, #tpu.memory_space<semaphore_mem>>)
    %dma_start3A_32 = arith.constant 0 : i32
    %dma_start3A_33 = arith.constant 0 : i32
    %dma_start3A_34 = tpu.memref_slice %arg5[%dma_start3A_32, %dma_start3A_33] : memref<50000x128xf32, #tpu.memory_space<hbm>> -> memref<50000x128xf32, #tpu.memory_space<hbm>>
    tpu.enqueue_indirect_dma source(%dma_start3A_34 : memref<50000x128xf32, #tpu.memory_space<hbm>>) target(%arg15 : memref<128x128xf32, #tpu.memory_space<vmem>>) offsets(%arg13 : memref<128xi32, #tpu.memory_space<vmem>>) semaphore(%arg18 : memref<!tpu.dma_semaphore, #tpu.memory_space<semaphore_mem>>)
    %dma_start3A_35 = arith.constant 0 : i32
    %dma_start3A_36 = arith.constant 0 : i32
    %dma_start3A_37 = tpu.memref_slice %arg6[%dma_start3A_35, %dma_start3A_36] : memref<500000x128xf32, #tpu.memory_space<hbm>> -> memref<500000x128xf32, #tpu.memory_space<hbm>>
    tpu.enqueue_indirect_dma source(%dma_start3A_37 : memref<500000x128xf32, #tpu.memory_space<hbm>>) target(%arg16 : memref<128x128xf32, #tpu.memory_space<vmem>>) offsets(%arg12 : memref<128xi32, #tpu.memory_space<vmem>>) semaphore(%arg18 : memref<!tpu.dma_semaphore, #tpu.memory_space<semaphore_mem>>)
    %dma_start3A_38 = arith.constant 0 : i32
    %dma_start3A_39 = arith.constant 0 : i32
    %dma_start3A_40 = tpu.memref_slice %arg7[%dma_start3A_38, %dma_start3A_39] : memref<50000x128xf32, #tpu.memory_space<hbm>> -> memref<50000x128xf32, #tpu.memory_space<hbm>>
    tpu.enqueue_indirect_dma source(%dma_start3A_40 : memref<50000x128xf32, #tpu.memory_space<hbm>>) target(%arg17 : memref<128x128xf32, #tpu.memory_space<vmem>>) offsets(%arg13 : memref<128xi32, #tpu.memory_space<vmem>>) semaphore(%arg18 : memref<!tpu.dma_semaphore, #tpu.memory_space<semaphore_mem>>)
    %dma_wait3A_41 = arith.constant 0 : i32
    %dma_wait3A_42 = arith.constant 0 : i32
    %dma_wait3A_43 = tpu.memref_slice %arg4[%dma_wait3A_41, %dma_wait3A_42] : memref<500000x128xf32, #tpu.memory_space<hbm>> -> memref<500000x128xf32, #tpu.memory_space<hbm>>
    tpu.wait_indirect_dma semaphore(%arg18 : memref<!tpu.dma_semaphore, #tpu.memory_space<semaphore_mem>>) src(%dma_wait3A_43 : memref<500000x128xf32, #tpu.memory_space<hbm>>) dst(%arg14 : memref<128x128xf32, #tpu.memory_space<vmem>>)
    %dma_wait3A_44 = arith.constant 0 : i32
    %dma_wait3A_45 = arith.constant 0 : i32
    %dma_wait3A_46 = tpu.memref_slice %arg5[%dma_wait3A_44, %dma_wait3A_45] : memref<50000x128xf32, #tpu.memory_space<hbm>> -> memref<50000x128xf32, #tpu.memory_space<hbm>>
    tpu.wait_indirect_dma semaphore(%arg18 : memref<!tpu.dma_semaphore, #tpu.memory_space<semaphore_mem>>) src(%dma_wait3A_46 : memref<50000x128xf32, #tpu.memory_space<hbm>>) dst(%arg15 : memref<128x128xf32, #tpu.memory_space<vmem>>)
    %dma_wait3A_47 = arith.constant 0 : i32
    %dma_wait3A_48 = arith.constant 0 : i32
    %dma_wait3A_49 = tpu.memref_slice %arg6[%dma_wait3A_47, %dma_wait3A_48] : memref<500000x128xf32, #tpu.memory_space<hbm>> -> memref<500000x128xf32, #tpu.memory_space<hbm>>
    tpu.wait_indirect_dma semaphore(%arg18 : memref<!tpu.dma_semaphore, #tpu.memory_space<semaphore_mem>>) src(%dma_wait3A_49 : memref<500000x128xf32, #tpu.memory_space<hbm>>) dst(%arg16 : memref<128x128xf32, #tpu.memory_space<vmem>>)
    %dma_wait3A_50 = arith.constant 0 : i32
    %dma_wait3A_51 = arith.constant 0 : i32
    %dma_wait3A_52 = tpu.memref_slice %arg7[%dma_wait3A_50, %dma_wait3A_51] : memref<50000x128xf32, #tpu.memory_space<hbm>> -> memref<50000x128xf32, #tpu.memory_space<hbm>>
    tpu.wait_indirect_dma semaphore(%arg18 : memref<!tpu.dma_semaphore, #tpu.memory_space<semaphore_mem>>) src(%dma_wait3A_52 : memref<50000x128xf32, #tpu.memory_space<hbm>>) dst(%arg17 : memref<128x128xf32, #tpu.memory_space<vmem>>)
    "tpu.region"() ({
      %run_scoped3A = tpu.sem_alloc : memref<!tpu.dma_semaphore, #tpu.memory_space<semaphore_mem>>
      %dma_start3A_105 = arith.constant 0 : i32
      %dma_start3A_106 = tpu.memref_slice %arg8[%add3A_28, %dma_start3A_105] : memref<16384x128xf32, #tpu.memory_space<hbm>> -> memref<128x128xf32, #tpu.memory_space<hbm>>
      %dma_start3A_107 = arith.constant 0 : i32
      %dma_start3A_108 = tpu.memref_slice %arg8[%add3A_28, %dma_start3A_107] : memref<16384x128xf32, #tpu.memory_space<hbm>> -> memref<128x128xf32, #tpu.memory_space<hbm>>
      tpu.enqueue_dma source(%arg14 : memref<128x128xf32, #tpu.memory_space<vmem>>) target(%dma_start3A_108 : memref<128x128xf32, #tpu.memory_space<hbm>>) target_semaphore(%run_scoped3A : memref<!tpu.dma_semaphore, #tpu.memory_space<semaphore_mem>>)
      %dma_wait3A_109 = arith.constant 0 : i32
      %dma_wait3A_110 = tpu.memref_slice %arg8[%add3A_28, %dma_wait3A_109] : memref<16384x128xf32, #tpu.memory_space<hbm>> -> memref<128x128xf32, #tpu.memory_space<hbm>>
      %dma_wait3A_111 = arith.constant 0 : i32
      %dma_wait3A_112 = tpu.memref_slice %arg8[%add3A_28, %dma_wait3A_111] : memref<16384x128xf32, #tpu.memory_space<hbm>> -> memref<128x128xf32, #tpu.memory_space<hbm>>
      tpu.wait_dma2 semaphore(%run_scoped3A : memref<!tpu.dma_semaphore, #tpu.memory_space<semaphore_mem>>) src(%arg14 : memref<128x128xf32, #tpu.memory_space<vmem>>) dst(%dma_wait3A_112 : memref<128x128xf32, #tpu.memory_space<hbm>>)
      tpu.yield
    }) : () -> ()
    "tpu.region"() ({
      %run_scoped3A = tpu.sem_alloc : memref<!tpu.dma_semaphore, #tpu.memory_space<semaphore_mem>>
      %dma_start3A_105 = arith.constant 0 : i32
      %dma_start3A_106 = tpu.memref_slice %arg9[%add3A_28, %dma_start3A_105] : memref<16384x128xf32, #tpu.memory_space<hbm>> -> memref<128x128xf32, #tpu.memory_space<hbm>>
      %dma_start3A_107 = arith.constant 0 : i32
      %dma_start3A_108 = tpu.memref_slice %arg9[%add3A_28, %dma_start3A_107] : memref<16384x128xf32, #tpu.memory_space<hbm>> -> memref<128x128xf32, #tpu.memory_space<hbm>>
      tpu.enqueue_dma source(%arg15 : memref<128x128xf32, #tpu.memory_space<vmem>>) target(%dma_start3A_108 : memref<128x128xf32, #tpu.memory_space<hbm>>) target_semaphore(%run_scoped3A : memref<!tpu.dma_semaphore, #tpu.memory_space<semaphore_mem>>)
      %dma_wait3A_109 = arith.constant 0 : i32
      %dma_wait3A_110 = tpu.memref_slice %arg9[%add3A_28, %dma_wait3A_109] : memref<16384x128xf32, #tpu.memory_space<hbm>> -> memref<128x128xf32, #tpu.memory_space<hbm>>
      %dma_wait3A_111 = arith.constant 0 : i32
      %dma_wait3A_112 = tpu.memref_slice %arg9[%add3A_28, %dma_wait3A_111] : memref<16384x128xf32, #tpu.memory_space<hbm>> -> memref<128x128xf32, #tpu.memory_space<hbm>>
      tpu.wait_dma2 semaphore(%run_scoped3A : memref<!tpu.dma_semaphore, #tpu.memory_space<semaphore_mem>>) src(%arg15 : memref<128x128xf32, #tpu.memory_space<vmem>>) dst(%dma_wait3A_112 : memref<128x128xf32, #tpu.memory_space<hbm>>)
      tpu.yield
    }) : () -> ()
    "tpu.region"() ({
      %run_scoped3A = tpu.sem_alloc : memref<!tpu.dma_semaphore, #tpu.memory_space<semaphore_mem>>
      %dma_start3A_105 = arith.constant 0 : i32
      %dma_start3A_106 = tpu.memref_slice %arg10[%add3A_28, %dma_start3A_105] : memref<16384x128xf32, #tpu.memory_space<hbm>> -> memref<128x128xf32, #tpu.memory_space<hbm>>
      %dma_start3A_107 = arith.constant 0 : i32
      %dma_start3A_108 = tpu.memref_slice %arg10[%add3A_28, %dma_start3A_107] : memref<16384x128xf32, #tpu.memory_space<hbm>> -> memref<128x128xf32, #tpu.memory_space<hbm>>
      tpu.enqueue_dma source(%arg16 : memref<128x128xf32, #tpu.memory_space<vmem>>) target(%dma_start3A_108 : memref<128x128xf32, #tpu.memory_space<hbm>>) target_semaphore(%run_scoped3A : memref<!tpu.dma_semaphore, #tpu.memory_space<semaphore_mem>>)
      %dma_wait3A_109 = arith.constant 0 : i32
      %dma_wait3A_110 = tpu.memref_slice %arg10[%add3A_28, %dma_wait3A_109] : memref<16384x128xf32, #tpu.memory_space<hbm>> -> memref<128x128xf32, #tpu.memory_space<hbm>>
      %dma_wait3A_111 = arith.constant 0 : i32
      %dma_wait3A_112 = tpu.memref_slice %arg10[%add3A_28, %dma_wait3A_111] : memref<16384x128xf32, #tpu.memory_space<hbm>> -> memref<128x128xf32, #tpu.memory_space<hbm>>
      tpu.wait_dma2 semaphore(%run_scoped3A : memref<!tpu.dma_semaphore, #tpu.memory_space<semaphore_mem>>) src(%arg16 : memref<128x128xf32, #tpu.memory_space<vmem>>) dst(%dma_wait3A_112 : memref<128x128xf32, #tpu.memory_space<hbm>>)
      tpu.yield
    }) : () -> ()
    "tpu.region"() ({
      %run_scoped3A = tpu.sem_alloc : memref<!tpu.dma_semaphore, #tpu.memory_space<semaphore_mem>>
      %dma_start3A_105 = arith.constant 0 : i32
      %dma_start3A_106 = tpu.memref_slice %arg11[%add3A_28, %dma_start3A_105] : memref<16384x128xf32, #tpu.memory_space<hbm>> -> memref<128x128xf32, #tpu.memory_space<hbm>>
      %dma_start3A_107 = arith.constant 0 : i32
      %dma_start3A_108 = tpu.memref_slice %arg11[%add3A_28, %dma_start3A_107] : memref<16384x128xf32, #tpu.memory_space<hbm>> -> memref<128x128xf32, #tpu.memory_space<hbm>>
      tpu.enqueue_dma source(%arg17 : memref<128x128xf32, #tpu.memory_space<vmem>>) target(%dma_start3A_108 : memref<128x128xf32, #tpu.memory_space<hbm>>) target_semaphore(%run_scoped3A : memref<!tpu.dma_semaphore, #tpu.memory_space<semaphore_mem>>)
      %dma_wait3A_109 = arith.constant 0 : i32
      %dma_wait3A_110 = tpu.memref_slice %arg11[%add3A_28, %dma_wait3A_109] : memref<16384x128xf32, #tpu.memory_space<hbm>> -> memref<128x128xf32, #tpu.memory_space<hbm>>
      %dma_wait3A_111 = arith.constant 0 : i32
      %dma_wait3A_112 = tpu.memref_slice %arg11[%add3A_28, %dma_wait3A_111] : memref<16384x128xf32, #tpu.memory_space<hbm>> -> memref<128x128xf32, #tpu.memory_space<hbm>>
      tpu.wait_dma2 semaphore(%run_scoped3A : memref<!tpu.dma_semaphore, #tpu.memory_space<semaphore_mem>>) src(%arg17 : memref<128x128xf32, #tpu.memory_space<vmem>>) dst(%dma_wait3A_112 : memref<128x128xf32, #tpu.memory_space<hbm>>)
      tpu.yield
    }) : () -> ()
    %add3A_53 = arith.constant 256 : i32
    %add3A_54 = arith.addi %mul3A_2, %add3A_53 : i32
    "tpu.region"() ({
      %run_scoped3A = tpu.sem_alloc : memref<!tpu.dma_semaphore, #tpu.memory_space<semaphore_mem>>
      %dma_start3A_105 = tpu.memref_slice %arg2[%add3A_54] : memref<16384xi32, #tpu.memory_space<hbm>> -> memref<128xi32, #tpu.memory_space<hbm>>
      %dma_start3A_106 = tpu.memref_slice %arg2[%add3A_54] : memref<16384xi32, #tpu.memory_space<hbm>> -> memref<128xi32, #tpu.memory_space<hbm>>
      tpu.enqueue_dma source(%dma_start3A_106 : memref<128xi32, #tpu.memory_space<hbm>>) target(%arg12 : memref<128xi32, #tpu.memory_space<vmem>>) target_semaphore(%run_scoped3A : memref<!tpu.dma_semaphore, #tpu.memory_space<semaphore_mem>>)
      %dma_wait3A_107 = tpu.memref_slice %arg2[%add3A_54] : memref<16384xi32, #tpu.memory_space<hbm>> -> memref<128xi32, #tpu.memory_space<hbm>>
      %dma_wait3A_108 = tpu.memref_slice %arg2[%add3A_54] : memref<16384xi32, #tpu.memory_space<hbm>> -> memref<128xi32, #tpu.memory_space<hbm>>
      tpu.wait_dma2 semaphore(%run_scoped3A : memref<!tpu.dma_semaphore, #tpu.memory_space<semaphore_mem>>) src(%dma_wait3A_108 : memref<128xi32, #tpu.memory_space<hbm>>) dst(%arg12 : memref<128xi32, #tpu.memory_space<vmem>>)
      tpu.yield
    }) : () -> ()
    "tpu.region"() ({
      %run_scoped3A = tpu.sem_alloc : memref<!tpu.dma_semaphore, #tpu.memory_space<semaphore_mem>>
      %dma_start3A_105 = tpu.memref_slice %arg3[%add3A_54] : memref<16384xi32, #tpu.memory_space<hbm>> -> memref<128xi32, #tpu.memory_space<hbm>>
      %dma_start3A_106 = tpu.memref_slice %arg3[%add3A_54] : memref<16384xi32, #tpu.memory_space<hbm>> -> memref<128xi32, #tpu.memory_space<hbm>>
      tpu.enqueue_dma source(%dma_start3A_106 : memref<128xi32, #tpu.memory_space<hbm>>) target(%arg13 : memref<128xi32, #tpu.memory_space<vmem>>) target_semaphore(%run_scoped3A : memref<!tpu.dma_semaphore, #tpu.memory_space<semaphore_mem>>)
      %dma_wait3A_107 = tpu.memref_slice %arg3[%add3A_54] : memref<16384xi32, #tpu.memory_space<hbm>> -> memref<128xi32, #tpu.memory_space<hbm>>
      %dma_wait3A_108 = tpu.memref_slice %arg3[%add3A_54] : memref<16384xi32, #tpu.memory_space<hbm>> -> memref<128xi32, #tpu.memory_space<hbm>>
      tpu.wait_dma2 semaphore(%run_scoped3A : memref<!tpu.dma_semaphore, #tpu.memory_space<semaphore_mem>>) src(%dma_wait3A_108 : memref<128xi32, #tpu.memory_space<hbm>>) dst(%arg13 : memref<128xi32, #tpu.memory_space<vmem>>)
      tpu.yield
    }) : () -> ()
    %dma_start3A_55 = arith.constant 0 : i32
    %dma_start3A_56 = arith.constant 0 : i32
    %dma_start3A_57 = tpu.memref_slice %arg4[%dma_start3A_55, %dma_start3A_56] : memref<500000x128xf32, #tpu.memory_space<hbm>> -> memref<500000x128xf32, #tpu.memory_space<hbm>>
    tpu.enqueue_indirect_dma source(%dma_start3A_57 : memref<500000x128xf32, #tpu.memory_space<hbm>>) target(%arg14 : memref<128x128xf32, #tpu.memory_space<vmem>>) offsets(%arg12 : memref<128xi32, #tpu.memory_space<vmem>>) semaphore(%arg18 : memref<!tpu.dma_semaphore, #tpu.memory_space<semaphore_mem>>)
    %dma_start3A_58 = arith.constant 0 : i32
    %dma_start3A_59 = arith.constant 0 : i32
    %dma_start3A_60 = tpu.memref_slice %arg5[%dma_start3A_58, %dma_start3A_59] : memref<50000x128xf32, #tpu.memory_space<hbm>> -> memref<50000x128xf32, #tpu.memory_space<hbm>>
    tpu.enqueue_indirect_dma source(%dma_start3A_60 : memref<50000x128xf32, #tpu.memory_space<hbm>>) target(%arg15 : memref<128x128xf32, #tpu.memory_space<vmem>>) offsets(%arg13 : memref<128xi32, #tpu.memory_space<vmem>>) semaphore(%arg18 : memref<!tpu.dma_semaphore, #tpu.memory_space<semaphore_mem>>)
    %dma_start3A_61 = arith.constant 0 : i32
    %dma_start3A_62 = arith.constant 0 : i32
    %dma_start3A_63 = tpu.memref_slice %arg6[%dma_start3A_61, %dma_start3A_62] : memref<500000x128xf32, #tpu.memory_space<hbm>> -> memref<500000x128xf32, #tpu.memory_space<hbm>>
    tpu.enqueue_indirect_dma source(%dma_start3A_63 : memref<500000x128xf32, #tpu.memory_space<hbm>>) target(%arg16 : memref<128x128xf32, #tpu.memory_space<vmem>>) offsets(%arg12 : memref<128xi32, #tpu.memory_space<vmem>>) semaphore(%arg18 : memref<!tpu.dma_semaphore, #tpu.memory_space<semaphore_mem>>)
    %dma_start3A_64 = arith.constant 0 : i32
    %dma_start3A_65 = arith.constant 0 : i32
    %dma_start3A_66 = tpu.memref_slice %arg7[%dma_start3A_64, %dma_start3A_65] : memref<50000x128xf32, #tpu.memory_space<hbm>> -> memref<50000x128xf32, #tpu.memory_space<hbm>>
    tpu.enqueue_indirect_dma source(%dma_start3A_66 : memref<50000x128xf32, #tpu.memory_space<hbm>>) target(%arg17 : memref<128x128xf32, #tpu.memory_space<vmem>>) offsets(%arg13 : memref<128xi32, #tpu.memory_space<vmem>>) semaphore(%arg18 : memref<!tpu.dma_semaphore, #tpu.memory_space<semaphore_mem>>)
    %dma_wait3A_67 = arith.constant 0 : i32
    %dma_wait3A_68 = arith.constant 0 : i32
    %dma_wait3A_69 = tpu.memref_slice %arg4[%dma_wait3A_67, %dma_wait3A_68] : memref<500000x128xf32, #tpu.memory_space<hbm>> -> memref<500000x128xf32, #tpu.memory_space<hbm>>
    tpu.wait_indirect_dma semaphore(%arg18 : memref<!tpu.dma_semaphore, #tpu.memory_space<semaphore_mem>>) src(%dma_wait3A_69 : memref<500000x128xf32, #tpu.memory_space<hbm>>) dst(%arg14 : memref<128x128xf32, #tpu.memory_space<vmem>>)
    %dma_wait3A_70 = arith.constant 0 : i32
    %dma_wait3A_71 = arith.constant 0 : i32
    %dma_wait3A_72 = tpu.memref_slice %arg5[%dma_wait3A_70, %dma_wait3A_71] : memref<50000x128xf32, #tpu.memory_space<hbm>> -> memref<50000x128xf32, #tpu.memory_space<hbm>>
    tpu.wait_indirect_dma semaphore(%arg18 : memref<!tpu.dma_semaphore, #tpu.memory_space<semaphore_mem>>) src(%dma_wait3A_72 : memref<50000x128xf32, #tpu.memory_space<hbm>>) dst(%arg15 : memref<128x128xf32, #tpu.memory_space<vmem>>)
    %dma_wait3A_73 = arith.constant 0 : i32
    %dma_wait3A_74 = arith.constant 0 : i32
    %dma_wait3A_75 = tpu.memref_slice %arg6[%dma_wait3A_73, %dma_wait3A_74] : memref<500000x128xf32, #tpu.memory_space<hbm>> -> memref<500000x128xf32, #tpu.memory_space<hbm>>
    tpu.wait_indirect_dma semaphore(%arg18 : memref<!tpu.dma_semaphore, #tpu.memory_space<semaphore_mem>>) src(%dma_wait3A_75 : memref<500000x128xf32, #tpu.memory_space<hbm>>) dst(%arg16 : memref<128x128xf32, #tpu.memory_space<vmem>>)
    %dma_wait3A_76 = arith.constant 0 : i32
    %dma_wait3A_77 = arith.constant 0 : i32
    %dma_wait3A_78 = tpu.memref_slice %arg7[%dma_wait3A_76, %dma_wait3A_77] : memref<50000x128xf32, #tpu.memory_space<hbm>> -> memref<50000x128xf32, #tpu.memory_space<hbm>>
    tpu.wait_indirect_dma semaphore(%arg18 : memref<!tpu.dma_semaphore, #tpu.memory_space<semaphore_mem>>) src(%dma_wait3A_78 : memref<50000x128xf32, #tpu.memory_space<hbm>>) dst(%arg17 : memref<128x128xf32, #tpu.memory_space<vmem>>)
    "tpu.region"() ({
      %run_scoped3A = tpu.sem_alloc : memref<!tpu.dma_semaphore, #tpu.memory_space<semaphore_mem>>
      %dma_start3A_105 = arith.constant 0 : i32
      %dma_start3A_106 = tpu.memref_slice %arg8[%add3A_54, %dma_start3A_105] : memref<16384x128xf32, #tpu.memory_space<hbm>> -> memref<128x128xf32, #tpu.memory_space<hbm>>
      %dma_start3A_107 = arith.constant 0 : i32
      %dma_start3A_108 = tpu.memref_slice %arg8[%add3A_54, %dma_start3A_107] : memref<16384x128xf32, #tpu.memory_space<hbm>> -> memref<128x128xf32, #tpu.memory_space<hbm>>
      tpu.enqueue_dma source(%arg14 : memref<128x128xf32, #tpu.memory_space<vmem>>) target(%dma_start3A_108 : memref<128x128xf32, #tpu.memory_space<hbm>>) target_semaphore(%run_scoped3A : memref<!tpu.dma_semaphore, #tpu.memory_space<semaphore_mem>>)
      %dma_wait3A_109 = arith.constant 0 : i32
      %dma_wait3A_110 = tpu.memref_slice %arg8[%add3A_54, %dma_wait3A_109] : memref<16384x128xf32, #tpu.memory_space<hbm>> -> memref<128x128xf32, #tpu.memory_space<hbm>>
      %dma_wait3A_111 = arith.constant 0 : i32
      %dma_wait3A_112 = tpu.memref_slice %arg8[%add3A_54, %dma_wait3A_111] : memref<16384x128xf32, #tpu.memory_space<hbm>> -> memref<128x128xf32, #tpu.memory_space<hbm>>
      tpu.wait_dma2 semaphore(%run_scoped3A : memref<!tpu.dma_semaphore, #tpu.memory_space<semaphore_mem>>) src(%arg14 : memref<128x128xf32, #tpu.memory_space<vmem>>) dst(%dma_wait3A_112 : memref<128x128xf32, #tpu.memory_space<hbm>>)
      tpu.yield
    }) : () -> ()
    "tpu.region"() ({
      %run_scoped3A = tpu.sem_alloc : memref<!tpu.dma_semaphore, #tpu.memory_space<semaphore_mem>>
      %dma_start3A_105 = arith.constant 0 : i32
      %dma_start3A_106 = tpu.memref_slice %arg9[%add3A_54, %dma_start3A_105] : memref<16384x128xf32, #tpu.memory_space<hbm>> -> memref<128x128xf32, #tpu.memory_space<hbm>>
      %dma_start3A_107 = arith.constant 0 : i32
      %dma_start3A_108 = tpu.memref_slice %arg9[%add3A_54, %dma_start3A_107] : memref<16384x128xf32, #tpu.memory_space<hbm>> -> memref<128x128xf32, #tpu.memory_space<hbm>>
      tpu.enqueue_dma source(%arg15 : memref<128x128xf32, #tpu.memory_space<vmem>>) target(%dma_start3A_108 : memref<128x128xf32, #tpu.memory_space<hbm>>) target_semaphore(%run_scoped3A : memref<!tpu.dma_semaphore, #tpu.memory_space<semaphore_mem>>)
      %dma_wait3A_109 = arith.constant 0 : i32
      %dma_wait3A_110 = tpu.memref_slice %arg9[%add3A_54, %dma_wait3A_109] : memref<16384x128xf32, #tpu.memory_space<hbm>> -> memref<128x128xf32, #tpu.memory_space<hbm>>
      %dma_wait3A_111 = arith.constant 0 : i32
      %dma_wait3A_112 = tpu.memref_slice %arg9[%add3A_54, %dma_wait3A_111] : memref<16384x128xf32, #tpu.memory_space<hbm>> -> memref<128x128xf32, #tpu.memory_space<hbm>>
      tpu.wait_dma2 semaphore(%run_scoped3A : memref<!tpu.dma_semaphore, #tpu.memory_space<semaphore_mem>>) src(%arg15 : memref<128x128xf32, #tpu.memory_space<vmem>>) dst(%dma_wait3A_112 : memref<128x128xf32, #tpu.memory_space<hbm>>)
      tpu.yield
    }) : () -> ()
    "tpu.region"() ({
      %run_scoped3A = tpu.sem_alloc : memref<!tpu.dma_semaphore, #tpu.memory_space<semaphore_mem>>
      %dma_start3A_105 = arith.constant 0 : i32
      %dma_start3A_106 = tpu.memref_slice %arg10[%add3A_54, %dma_start3A_105] : memref<16384x128xf32, #tpu.memory_space<hbm>> -> memref<128x128xf32, #tpu.memory_space<hbm>>
      %dma_start3A_107 = arith.constant 0 : i32
      %dma_start3A_108 = tpu.memref_slice %arg10[%add3A_54, %dma_start3A_107] : memref<16384x128xf32, #tpu.memory_space<hbm>> -> memref<128x128xf32, #tpu.memory_space<hbm>>
      tpu.enqueue_dma source(%arg16 : memref<128x128xf32, #tpu.memory_space<vmem>>) target(%dma_start3A_108 : memref<128x128xf32, #tpu.memory_space<hbm>>) target_semaphore(%run_scoped3A : memref<!tpu.dma_semaphore, #tpu.memory_space<semaphore_mem>>)
      %dma_wait3A_109 = arith.constant 0 : i32
      %dma_wait3A_110 = tpu.memref_slice %arg10[%add3A_54, %dma_wait3A_109] : memref<16384x128xf32, #tpu.memory_space<hbm>> -> memref<128x128xf32, #tpu.memory_space<hbm>>
      %dma_wait3A_111 = arith.constant 0 : i32
      %dma_wait3A_112 = tpu.memref_slice %arg10[%add3A_54, %dma_wait3A_111] : memref<16384x128xf32, #tpu.memory_space<hbm>> -> memref<128x128xf32, #tpu.memory_space<hbm>>
      tpu.wait_dma2 semaphore(%run_scoped3A : memref<!tpu.dma_semaphore, #tpu.memory_space<semaphore_mem>>) src(%arg16 : memref<128x128xf32, #tpu.memory_space<vmem>>) dst(%dma_wait3A_112 : memref<128x128xf32, #tpu.memory_space<hbm>>)
      tpu.yield
    }) : () -> ()
    "tpu.region"() ({
      %run_scoped3A = tpu.sem_alloc : memref<!tpu.dma_semaphore, #tpu.memory_space<semaphore_mem>>
      %dma_start3A_105 = arith.constant 0 : i32
      %dma_start3A_106 = tpu.memref_slice %arg11[%add3A_54, %dma_start3A_105] : memref<16384x128xf32, #tpu.memory_space<hbm>> -> memref<128x128xf32, #tpu.memory_space<hbm>>
      %dma_start3A_107 = arith.constant 0 : i32
      %dma_start3A_108 = tpu.memref_slice %arg11[%add3A_54, %dma_start3A_107] : memref<16384x128xf32, #tpu.memory_space<hbm>> -> memref<128x128xf32, #tpu.memory_space<hbm>>
      tpu.enqueue_dma source(%arg17 : memref<128x128xf32, #tpu.memory_space<vmem>>) target(%dma_start3A_108 : memref<128x128xf32, #tpu.memory_space<hbm>>) target_semaphore(%run_scoped3A : memref<!tpu.dma_semaphore, #tpu.memory_space<semaphore_mem>>)
      %dma_wait3A_109 = arith.constant 0 : i32
      %dma_wait3A_110 = tpu.memref_slice %arg11[%add3A_54, %dma_wait3A_109] : memref<16384x128xf32, #tpu.memory_space<hbm>> -> memref<128x128xf32, #tpu.memory_space<hbm>>
      %dma_wait3A_111 = arith.constant 0 : i32
      %dma_wait3A_112 = tpu.memref_slice %arg11[%add3A_54, %dma_wait3A_111] : memref<16384x128xf32, #tpu.memory_space<hbm>> -> memref<128x128xf32, #tpu.memory_space<hbm>>
      tpu.wait_dma2 semaphore(%run_scoped3A : memref<!tpu.dma_semaphore, #tpu.memory_space<semaphore_mem>>) src(%arg17 : memref<128x128xf32, #tpu.memory_space<vmem>>) dst(%dma_wait3A_112 : memref<128x128xf32, #tpu.memory_space<hbm>>)
      tpu.yield
    }) : () -> ()
    %add3A_79 = arith.constant 384 : i32
    %add3A_80 = arith.addi %mul3A_2, %add3A_79 : i32
    "tpu.region"() ({
      %run_scoped3A = tpu.sem_alloc : memref<!tpu.dma_semaphore, #tpu.memory_space<semaphore_mem>>
      %dma_start3A_105 = tpu.memref_slice %arg2[%add3A_80] : memref<16384xi32, #tpu.memory_space<hbm>> -> memref<128xi32, #tpu.memory_space<hbm>>
      %dma_start3A_106 = tpu.memref_slice %arg2[%add3A_80] : memref<16384xi32, #tpu.memory_space<hbm>> -> memref<128xi32, #tpu.memory_space<hbm>>
      tpu.enqueue_dma source(%dma_start3A_106 : memref<128xi32, #tpu.memory_space<hbm>>) target(%arg12 : memref<128xi32, #tpu.memory_space<vmem>>) target_semaphore(%run_scoped3A : memref<!tpu.dma_semaphore, #tpu.memory_space<semaphore_mem>>)
      %dma_wait3A_107 = tpu.memref_slice %arg2[%add3A_80] : memref<16384xi32, #tpu.memory_space<hbm>> -> memref<128xi32, #tpu.memory_space<hbm>>
      %dma_wait3A_108 = tpu.memref_slice %arg2[%add3A_80] : memref<16384xi32, #tpu.memory_space<hbm>> -> memref<128xi32, #tpu.memory_space<hbm>>
      tpu.wait_dma2 semaphore(%run_scoped3A : memref<!tpu.dma_semaphore, #tpu.memory_space<semaphore_mem>>) src(%dma_wait3A_108 : memref<128xi32, #tpu.memory_space<hbm>>) dst(%arg12 : memref<128xi32, #tpu.memory_space<vmem>>)
      tpu.yield
    }) : () -> ()
    "tpu.region"() ({
      %run_scoped3A = tpu.sem_alloc : memref<!tpu.dma_semaphore, #tpu.memory_space<semaphore_mem>>
      %dma_start3A_105 = tpu.memref_slice %arg3[%add3A_80] : memref<16384xi32, #tpu.memory_space<hbm>> -> memref<128xi32, #tpu.memory_space<hbm>>
      %dma_start3A_106 = tpu.memref_slice %arg3[%add3A_80] : memref<16384xi32, #tpu.memory_space<hbm>> -> memref<128xi32, #tpu.memory_space<hbm>>
      tpu.enqueue_dma source(%dma_start3A_106 : memref<128xi32, #tpu.memory_space<hbm>>) target(%arg13 : memref<128xi32, #tpu.memory_space<vmem>>) target_semaphore(%run_scoped3A : memref<!tpu.dma_semaphore, #tpu.memory_space<semaphore_mem>>)
      %dma_wait3A_107 = tpu.memref_slice %arg3[%add3A_80] : memref<16384xi32, #tpu.memory_space<hbm>> -> memref<128xi32, #tpu.memory_space<hbm>>
      %dma_wait3A_108 = tpu.memref_slice %arg3[%add3A_80] : memref<16384xi32, #tpu.memory_space<hbm>> -> memref<128xi32, #tpu.memory_space<hbm>>
      tpu.wait_dma2 semaphore(%run_scoped3A : memref<!tpu.dma_semaphore, #tpu.memory_space<semaphore_mem>>) src(%dma_wait3A_108 : memref<128xi32, #tpu.memory_space<hbm>>) dst(%arg13 : memref<128xi32, #tpu.memory_space<vmem>>)
      tpu.yield
    }) : () -> ()
    %dma_start3A_81 = arith.constant 0 : i32
    %dma_start3A_82 = arith.constant 0 : i32
    %dma_start3A_83 = tpu.memref_slice %arg4[%dma_start3A_81, %dma_start3A_82] : memref<500000x128xf32, #tpu.memory_space<hbm>> -> memref<500000x128xf32, #tpu.memory_space<hbm>>
    tpu.enqueue_indirect_dma source(%dma_start3A_83 : memref<500000x128xf32, #tpu.memory_space<hbm>>) target(%arg14 : memref<128x128xf32, #tpu.memory_space<vmem>>) offsets(%arg12 : memref<128xi32, #tpu.memory_space<vmem>>) semaphore(%arg18 : memref<!tpu.dma_semaphore, #tpu.memory_space<semaphore_mem>>)
    %dma_start3A_84 = arith.constant 0 : i32
    %dma_start3A_85 = arith.constant 0 : i32
    %dma_start3A_86 = tpu.memref_slice %arg5[%dma_start3A_84, %dma_start3A_85] : memref<50000x128xf32, #tpu.memory_space<hbm>> -> memref<50000x128xf32, #tpu.memory_space<hbm>>
    tpu.enqueue_indirect_dma source(%dma_start3A_86 : memref<50000x128xf32, #tpu.memory_space<hbm>>) target(%arg15 : memref<128x128xf32, #tpu.memory_space<vmem>>) offsets(%arg13 : memref<128xi32, #tpu.memory_space<vmem>>) semaphore(%arg18 : memref<!tpu.dma_semaphore, #tpu.memory_space<semaphore_mem>>)
    %dma_start3A_87 = arith.constant 0 : i32
    %dma_start3A_88 = arith.constant 0 : i32
    %dma_start3A_89 = tpu.memref_slice %arg6[%dma_start3A_87, %dma_start3A_88] : memref<500000x128xf32, #tpu.memory_space<hbm>> -> memref<500000x128xf32, #tpu.memory_space<hbm>>
    tpu.enqueue_indirect_dma source(%dma_start3A_89 : memref<500000x128xf32, #tpu.memory_space<hbm>>) target(%arg16 : memref<128x128xf32, #tpu.memory_space<vmem>>) offsets(%arg12 : memref<128xi32, #tpu.memory_space<vmem>>) semaphore(%arg18 : memref<!tpu.dma_semaphore, #tpu.memory_space<semaphore_mem>>)
    %dma_start3A_90 = arith.constant 0 : i32
    %dma_start3A_91 = arith.constant 0 : i32
    %dma_start3A_92 = tpu.memref_slice %arg7[%dma_start3A_90, %dma_start3A_91] : memref<50000x128xf32, #tpu.memory_space<hbm>> -> memref<50000x128xf32, #tpu.memory_space<hbm>>
    tpu.enqueue_indirect_dma source(%dma_start3A_92 : memref<50000x128xf32, #tpu.memory_space<hbm>>) target(%arg17 : memref<128x128xf32, #tpu.memory_space<vmem>>) offsets(%arg13 : memref<128xi32, #tpu.memory_space<vmem>>) semaphore(%arg18 : memref<!tpu.dma_semaphore, #tpu.memory_space<semaphore_mem>>)
    %dma_wait3A_93 = arith.constant 0 : i32
    %dma_wait3A_94 = arith.constant 0 : i32
    %dma_wait3A_95 = tpu.memref_slice %arg4[%dma_wait3A_93, %dma_wait3A_94] : memref<500000x128xf32, #tpu.memory_space<hbm>> -> memref<500000x128xf32, #tpu.memory_space<hbm>>
    tpu.wait_indirect_dma semaphore(%arg18 : memref<!tpu.dma_semaphore, #tpu.memory_space<semaphore_mem>>) src(%dma_wait3A_95 : memref<500000x128xf32, #tpu.memory_space<hbm>>) dst(%arg14 : memref<128x128xf32, #tpu.memory_space<vmem>>)
    %dma_wait3A_96 = arith.constant 0 : i32
    %dma_wait3A_97 = arith.constant 0 : i32
    %dma_wait3A_98 = tpu.memref_slice %arg5[%dma_wait3A_96, %dma_wait3A_97] : memref<50000x128xf32, #tpu.memory_space<hbm>> -> memref<50000x128xf32, #tpu.memory_space<hbm>>
    tpu.wait_indirect_dma semaphore(%arg18 : memref<!tpu.dma_semaphore, #tpu.memory_space<semaphore_mem>>) src(%dma_wait3A_98 : memref<50000x128xf32, #tpu.memory_space<hbm>>) dst(%arg15 : memref<128x128xf32, #tpu.memory_space<vmem>>)
    %dma_wait3A_99 = arith.constant 0 : i32
    %dma_wait3A_100 = arith.constant 0 : i32
    %dma_wait3A_101 = tpu.memref_slice %arg6[%dma_wait3A_99, %dma_wait3A_100] : memref<500000x128xf32, #tpu.memory_space<hbm>> -> memref<500000x128xf32, #tpu.memory_space<hbm>>
    tpu.wait_indirect_dma semaphore(%arg18 : memref<!tpu.dma_semaphore, #tpu.memory_space<semaphore_mem>>) src(%dma_wait3A_101 : memref<500000x128xf32, #tpu.memory_space<hbm>>) dst(%arg16 : memref<128x128xf32, #tpu.memory_space<vmem>>)
    %dma_wait3A_102 = arith.constant 0 : i32
    %dma_wait3A_103 = arith.constant 0 : i32
    %dma_wait3A_104 = tpu.memref_slice %arg7[%dma_wait3A_102, %dma_wait3A_103] : memref<50000x128xf32, #tpu.memory_space<hbm>> -> memref<50000x128xf32, #tpu.memory_space<hbm>>
    tpu.wait_indirect_dma semaphore(%arg18 : memref<!tpu.dma_semaphore, #tpu.memory_space<semaphore_mem>>) src(%dma_wait3A_104 : memref<50000x128xf32, #tpu.memory_space<hbm>>) dst(%arg17 : memref<128x128xf32, #tpu.memory_space<vmem>>)
    "tpu.region"() ({
      %run_scoped3A = tpu.sem_alloc : memref<!tpu.dma_semaphore, #tpu.memory_space<semaphore_mem>>
      %dma_start3A_105 = arith.constant 0 : i32
      %dma_start3A_106 = tpu.memref_slice %arg8[%add3A_80, %dma_start3A_105] : memref<16384x128xf32, #tpu.memory_space<hbm>> -> memref<128x128xf32, #tpu.memory_space<hbm>>
      %dma_start3A_107 = arith.constant 0 : i32
      %dma_start3A_108 = tpu.memref_slice %arg8[%add3A_80, %dma_start3A_107] : memref<16384x128xf32, #tpu.memory_space<hbm>> -> memref<128x128xf32, #tpu.memory_space<hbm>>
      tpu.enqueue_dma source(%arg14 : memref<128x128xf32, #tpu.memory_space<vmem>>) target(%dma_start3A_108 : memref<128x128xf32, #tpu.memory_space<hbm>>) target_semaphore(%run_scoped3A : memref<!tpu.dma_semaphore, #tpu.memory_space<semaphore_mem>>)
      %dma_wait3A_109 = arith.constant 0 : i32
      %dma_wait3A_110 = tpu.memref_slice %arg8[%add3A_80, %dma_wait3A_109] : memref<16384x128xf32, #tpu.memory_space<hbm>> -> memref<128x128xf32, #tpu.memory_space<hbm>>
      %dma_wait3A_111 = arith.constant 0 : i32
      %dma_wait3A_112 = tpu.memref_slice %arg8[%add3A_80, %dma_wait3A_111] : memref<16384x128xf32, #tpu.memory_space<hbm>> -> memref<128x128xf32, #tpu.memory_space<hbm>>
      tpu.wait_dma2 semaphore(%run_scoped3A : memref<!tpu.dma_semaphore, #tpu.memory_space<semaphore_mem>>) src(%arg14 : memref<128x128xf32, #tpu.memory_space<vmem>>) dst(%dma_wait3A_112 : memref<128x128xf32, #tpu.memory_space<hbm>>)
      tpu.yield
    }) : () -> ()
    "tpu.region"() ({
      %run_scoped3A = tpu.sem_alloc : memref<!tpu.dma_semaphore, #tpu.memory_space<semaphore_mem>>
      %dma_start3A_105 = arith.constant 0 : i32
      %dma_start3A_106 = tpu.memref_slice %arg9[%add3A_80, %dma_start3A_105] : memref<16384x128xf32, #tpu.memory_space<hbm>> -> memref<128x128xf32, #tpu.memory_space<hbm>>
      %dma_start3A_107 = arith.constant 0 : i32
      %dma_start3A_108 = tpu.memref_slice %arg9[%add3A_80, %dma_start3A_107] : memref<16384x128xf32, #tpu.memory_space<hbm>> -> memref<128x128xf32, #tpu.memory_space<hbm>>
      tpu.enqueue_dma source(%arg15 : memref<128x128xf32, #tpu.memory_space<vmem>>) target(%dma_start3A_108 : memref<128x128xf32, #tpu.memory_space<hbm>>) target_semaphore(%run_scoped3A : memref<!tpu.dma_semaphore, #tpu.memory_space<semaphore_mem>>)
      %dma_wait3A_109 = arith.constant 0 : i32
      %dma_wait3A_110 = tpu.memref_slice %arg9[%add3A_80, %dma_wait3A_109] : memref<16384x128xf32, #tpu.memory_space<hbm>> -> memref<128x128xf32, #tpu.memory_space<hbm>>
      %dma_wait3A_111 = arith.constant 0 : i32
      %dma_wait3A_112 = tpu.memref_slice %arg9[%add3A_80, %dma_wait3A_111] : memref<16384x128xf32, #tpu.memory_space<hbm>> -> memref<128x128xf32, #tpu.memory_space<hbm>>
      tpu.wait_dma2 semaphore(%run_scoped3A : memref<!tpu.dma_semaphore, #tpu.memory_space<semaphore_mem>>) src(%arg15 : memref<128x128xf32, #tpu.memory_space<vmem>>) dst(%dma_wait3A_112 : memref<128x128xf32, #tpu.memory_space<hbm>>)
      tpu.yield
    }) : () -> ()
    "tpu.region"() ({
      %run_scoped3A = tpu.sem_alloc : memref<!tpu.dma_semaphore, #tpu.memory_space<semaphore_mem>>
      %dma_start3A_105 = arith.constant 0 : i32
      %dma_start3A_106 = tpu.memref_slice %arg10[%add3A_80, %dma_start3A_105] : memref<16384x128xf32, #tpu.memory_space<hbm>> -> memref<128x128xf32, #tpu.memory_space<hbm>>
      %dma_start3A_107 = arith.constant 0 : i32
      %dma_start3A_108 = tpu.memref_slice %arg10[%add3A_80, %dma_start3A_107] : memref<16384x128xf32, #tpu.memory_space<hbm>> -> memref<128x128xf32, #tpu.memory_space<hbm>>
      tpu.enqueue_dma source(%arg16 : memref<128x128xf32, #tpu.memory_space<vmem>>) target(%dma_start3A_108 : memref<128x128xf32, #tpu.memory_space<hbm>>) target_semaphore(%run_scoped3A : memref<!tpu.dma_semaphore, #tpu.memory_space<semaphore_mem>>)
      %dma_wait3A_109 = arith.constant 0 : i32
      %dma_wait3A_110 = tpu.memref_slice %arg10[%add3A_80, %dma_wait3A_109] : memref<16384x128xf32, #tpu.memory_space<hbm>> -> memref<128x128xf32, #tpu.memory_space<hbm>>
      %dma_wait3A_111 = arith.constant 0 : i32
      %dma_wait3A_112 = tpu.memref_slice %arg10[%add3A_80, %dma_wait3A_111] : memref<16384x128xf32, #tpu.memory_space<hbm>> -> memref<128x128xf32, #tpu.memory_space<hbm>>
      tpu.wait_dma2 semaphore(%run_scoped3A : memref<!tpu.dma_semaphore, #tpu.memory_space<semaphore_mem>>) src(%arg16 : memref<128x128xf32, #tpu.memory_space<vmem>>) dst(%dma_wait3A_112 : memref<128x128xf32, #tpu.memory_space<hbm>>)
      tpu.yield
    }) : () -> ()
    "tpu.region"() ({
      %run_scoped3A = tpu.sem_alloc : memref<!tpu.dma_semaphore, #tpu.memory_space<semaphore_mem>>
      %dma_start3A_105 = arith.constant 0 : i32
      %dma_start3A_106 = tpu.memref_slice %arg11[%add3A_80, %dma_start3A_105] : memref<16384x128xf32, #tpu.memory_space<hbm>> -> memref<128x128xf32, #tpu.memory_space<hbm>>
      %dma_start3A_107 = arith.constant 0 : i32
      %dma_start3A_108 = tpu.memref_slice %arg11[%add3A_80, %dma_start3A_107] : memref<16384x128xf32, #tpu.memory_space<hbm>> -> memref<128x128xf32, #tpu.memory_space<hbm>>
      tpu.enqueue_dma source(%arg17 : memref<128x128xf32, #tpu.memory_space<vmem>>) target(%dma_start3A_108 : memref<128x128xf32, #tpu.memory_space<hbm>>) target_semaphore(%run_scoped3A : memref<!tpu.dma_semaphore, #tpu.memory_space<semaphore_mem>>)
      %dma_wait3A_109 = arith.constant 0 : i32
      %dma_wait3A_110 = tpu.memref_slice %arg11[%add3A_80, %dma_wait3A_109] : memref<16384x128xf32, #tpu.memory_space<hbm>> -> memref<128x128xf32, #tpu.memory_space<hbm>>
      %dma_wait3A_111 = arith.constant 0 : i32
      %dma_wait3A_112 = tpu.memref_slice %arg11[%add3A_80, %dma_wait3A_111] : memref<16384x128xf32, #tpu.memory_space<hbm>> -> memref<128x128xf32, #tpu.memory_space<hbm>>
      tpu.wait_dma2 semaphore(%run_scoped3A : memref<!tpu.dma_semaphore, #tpu.memory_space<semaphore_mem>>) src(%arg17 : memref<128x128xf32, #tpu.memory_space<vmem>>) dst(%dma_wait3A_112 : memref<128x128xf32, #tpu.memory_space<hbm>>)
      tpu.yield
    }) : () -> ()
    return
  }
}

module attributes {stable_mosaic.version = 14 : i64} {
  func.func @_tc_mlp_body(%arg0: i32, %arg1: memref<1024x1xi32, #tpu.memory_space<vmem>>, %arg2: memref<1024x1xi32, #tpu.memory_space<vmem>>, %arg3: memref<1024x128xf32, #tpu.memory_space<vmem>>, %arg4: memref<1024x128xf32, #tpu.memory_space<vmem>>, %arg5: memref<1024x128xf32, #tpu.memory_space<vmem>>, %arg6: memref<1024x128xf32, #tpu.memory_space<vmem>>, %arg7: memref<64x128xf32, #tpu.memory_space<vmem>>, %arg8: memref<64x128xf32, #tpu.memory_space<vmem>>, %arg9: memref<1x128xf32, #tpu.memory_space<vmem>>, %arg10: memref<128x64xf32, #tpu.memory_space<vmem>>, %arg11: memref<1x64xf32, #tpu.memory_space<vmem>>, %arg12: memref<64x32xf32, #tpu.memory_space<vmem>>, %arg13: memref<1x32xf32, #tpu.memory_space<vmem>>, %arg14: memref<32x16xf32, #tpu.memory_space<vmem>>, %arg15: memref<1x16xf32, #tpu.memory_space<vmem>>, %arg16: memref<1x64xf32, #tpu.memory_space<vmem>>, %arg17: memref<1x16xf32, #tpu.memory_space<vmem>>, %arg18: memref<1x1xf32, #tpu.memory_space<vmem>>, %arg19: memref<1024xf32, #tpu.memory_space<vmem>>) attributes {dimension_semantics = [#tpu.dimension_semantics<arbitrary>], iteration_bounds = array<i64: 16>, scalar_prefetch = 0 : i64, scratch_operands = 0 : i64, tpu.core_type = #tpu.core_type<tc>, window_params = [{transform_indices = @transform_0, window_bounds = array<i64: 1024, 1>}, {transform_indices = @transform_1, window_bounds = array<i64: 1024, 1>}, {transform_indices = @transform_2, window_bounds = array<i64: 1024, 128>}, {transform_indices = @transform_3, window_bounds = array<i64: 1024, 128>}, {transform_indices = @transform_4, window_bounds = array<i64: 1024, 128>}, {transform_indices = @transform_5, window_bounds = array<i64: 1024, 128>}, {pipeline_mode = #tpu.pipeline_mode<synchronous>, transform_indices = @transform_6, window_bounds = array<i64: 64, 128>}, {pipeline_mode = #tpu.pipeline_mode<synchronous>, transform_indices = @transform_7, window_bounds = array<i64: 64, 128>}, {pipeline_mode = #tpu.pipeline_mode<synchronous>, transform_indices = @transform_8, window_bounds = array<i64: 1, 128>}, {pipeline_mode = #tpu.pipeline_mode<synchronous>, transform_indices = @transform_9, window_bounds = array<i64: 128, 64>}, {pipeline_mode = #tpu.pipeline_mode<synchronous>, transform_indices = @transform_10, window_bounds = array<i64: 1, 64>}, {pipeline_mode = #tpu.pipeline_mode<synchronous>, transform_indices = @transform_11, window_bounds = array<i64: 64, 32>}, {pipeline_mode = #tpu.pipeline_mode<synchronous>, transform_indices = @transform_12, window_bounds = array<i64: 1, 32>}, {pipeline_mode = #tpu.pipeline_mode<synchronous>, transform_indices = @transform_13, window_bounds = array<i64: 32, 16>}, {pipeline_mode = #tpu.pipeline_mode<synchronous>, transform_indices = @transform_14, window_bounds = array<i64: 1, 16>}, {pipeline_mode = #tpu.pipeline_mode<synchronous>, transform_indices = @transform_15, window_bounds = array<i64: 1, 64>}, {pipeline_mode = #tpu.pipeline_mode<synchronous>, transform_indices = @transform_16, window_bounds = array<i64: 1, 16>}, {pipeline_mode = #tpu.pipeline_mode<synchronous>, transform_indices = @transform_17, window_bounds = array<i64: 1, 1>}, {transform_indices = @transform_18, window_bounds = array<i64: 1024>}]} {
    %get3A = arith.constant 0 : index
    %get3A_0 = arith.constant 0 : index
    %get3A_1 = vector.load %arg1[%get3A, %get3A_0] : memref<1024x1xi32, #tpu.memory_space<vmem>>, vector<1024x1xi32>
    %gt3A = arith.constant 0 : i32
    %gt3A_2 = vector.broadcast %gt3A : i32 to vector<1024x1xi32>
    %gt3A_3 = arith.cmpi sgt, %get3A_1, %gt3A_2 : vector<1024x1xi32>
    %get3A_4 = arith.constant 0 : index
    %get3A_5 = arith.constant 0 : index
    %get3A_6 = vector.load %arg2[%get3A_4, %get3A_5] : memref<1024x1xi32, #tpu.memory_space<vmem>>, vector<1024x1xi32>
    %gt3A_7 = arith.constant 0 : i32
    %gt3A_8 = vector.broadcast %gt3A_7 : i32 to vector<1024x1xi32>
    %gt3A_9 = arith.cmpi sgt, %get3A_6, %gt3A_8 : vector<1024x1xi32>
    %get3A_10 = arith.constant 0 : index
    %get3A_11 = arith.constant 0 : index
    %get3A_12 = vector.load %arg3[%get3A_10, %get3A_11] : memref<1024x128xf32, #tpu.memory_space<vmem>>, vector<1024x128xf32>
    %slice3A = vector.extract_strided_slice %get3A_12 {offsets = [0, 64], sizes = [1024, 64], strides = [1, 1]} : vector<1024x128xf32> to vector<1024x64xf32>
    %slice3A_13 = vector.extract_strided_slice %get3A_12 {offsets = [0, 0], sizes = [1024, 64], strides = [1, 1]} : vector<1024x128xf32> to vector<1024x64xf32>
    %broadcast_in_dim3A = vector.shape_cast %gt3A_3 : vector<1024x1xi1> to vector<1024x1xi1>
    %broadcast_in_dim3A_14 = vector.broadcast %broadcast_in_dim3A : vector<1024x1xi1> to vector<1024x64xi1>
    %select_n3A = arith.select %broadcast_in_dim3A_14, %slice3A, %slice3A_13 : vector<1024x64xi1>, vector<1024x64xf32>
    %get3A_15 = arith.constant 0 : index
    %get3A_16 = arith.constant 0 : index
    %get3A_17 = vector.load %arg4[%get3A_15, %get3A_16] : memref<1024x128xf32, #tpu.memory_space<vmem>>, vector<1024x128xf32>
    %slice3A_18 = vector.extract_strided_slice %get3A_17 {offsets = [0, 64], sizes = [1024, 64], strides = [1, 1]} : vector<1024x128xf32> to vector<1024x64xf32>
    %slice3A_19 = vector.extract_strided_slice %get3A_17 {offsets = [0, 0], sizes = [1024, 64], strides = [1, 1]} : vector<1024x128xf32> to vector<1024x64xf32>
    %broadcast_in_dim3A_20 = vector.shape_cast %gt3A_9 : vector<1024x1xi1> to vector<1024x1xi1>
    %broadcast_in_dim3A_21 = vector.broadcast %broadcast_in_dim3A_20 : vector<1024x1xi1> to vector<1024x64xi1>
    %select_n3A_22 = arith.select %broadcast_in_dim3A_21, %slice3A_18, %slice3A_19 : vector<1024x64xi1>, vector<1024x64xf32>
    %mul3A = arith.mulf %select_n3A, %select_n3A_22 : vector<1024x64xf32>
    %get3A_23 = arith.constant 0 : index
    %get3A_24 = arith.constant 0 : index
    %get3A_25 = vector.load %arg5[%get3A_23, %get3A_24] : memref<1024x128xf32, #tpu.memory_space<vmem>>, vector<1024x128xf32>
    %slice3A_26 = vector.extract_strided_slice %get3A_25 {offsets = [0, 64], sizes = [1024, 64], strides = [1, 1]} : vector<1024x128xf32> to vector<1024x64xf32>
    %slice3A_27 = vector.extract_strided_slice %get3A_25 {offsets = [0, 0], sizes = [1024, 64], strides = [1, 1]} : vector<1024x128xf32> to vector<1024x64xf32>
    %broadcast_in_dim3A_28 = vector.shape_cast %gt3A_3 : vector<1024x1xi1> to vector<1024x1xi1>
    %broadcast_in_dim3A_29 = vector.broadcast %broadcast_in_dim3A_28 : vector<1024x1xi1> to vector<1024x64xi1>
    %select_n3A_30 = arith.select %broadcast_in_dim3A_29, %slice3A_26, %slice3A_27 : vector<1024x64xi1>, vector<1024x64xf32>
    %get3A_31 = arith.constant 0 : index
    %get3A_32 = arith.constant 0 : index
    %get3A_33 = vector.load %arg6[%get3A_31, %get3A_32] : memref<1024x128xf32, #tpu.memory_space<vmem>>, vector<1024x128xf32>
    %slice3A_34 = vector.extract_strided_slice %get3A_33 {offsets = [0, 64], sizes = [1024, 64], strides = [1, 1]} : vector<1024x128xf32> to vector<1024x64xf32>
    %slice3A_35 = vector.extract_strided_slice %get3A_33 {offsets = [0, 0], sizes = [1024, 64], strides = [1, 1]} : vector<1024x128xf32> to vector<1024x64xf32>
    %broadcast_in_dim3A_36 = vector.shape_cast %gt3A_9 : vector<1024x1xi1> to vector<1024x1xi1>
    %broadcast_in_dim3A_37 = vector.broadcast %broadcast_in_dim3A_36 : vector<1024x1xi1> to vector<1024x64xi1>
    %select_n3A_38 = arith.select %broadcast_in_dim3A_37, %slice3A_34, %slice3A_35 : vector<1024x64xi1>, vector<1024x64xf32>
    %get3A_39 = arith.constant 0 : index
    %get3A_40 = arith.constant 0 : index
    %get3A_41 = vector.load %arg7[%get3A_39, %get3A_40] : memref<64x128xf32, #tpu.memory_space<vmem>>, vector<64x128xf32>
    %dot_general3A = arith.constant dense<0.000000e+00> : vector<1024x128xf32>
    %dot_general3A_42 = tpu.matmul %select_n3A_30, %get3A_41, %dot_general3A {dimension_numbers = #tpu.dot_dimension_numbers<[1], [0], [0], [1], [0, 0, 1, 1], [], []>, transpose_lhs_hint = false} : vector<1024x64xf32>, vector<64x128xf32>, vector<1024x128xf32> -> vector<1024x128xf32>
    %get3A_43 = arith.constant 0 : index
    %get3A_44 = arith.constant 0 : index
    %get3A_45 = vector.load %arg8[%get3A_43, %get3A_44] : memref<64x128xf32, #tpu.memory_space<vmem>>, vector<64x128xf32>
    %dot_general3A_46 = arith.constant dense<0.000000e+00> : vector<1024x128xf32>
    %dot_general3A_47 = tpu.matmul %select_n3A_38, %get3A_45, %dot_general3A_46 {dimension_numbers = #tpu.dot_dimension_numbers<[1], [0], [0], [1], [0, 0, 1, 1], [], []>, transpose_lhs_hint = false} : vector<1024x64xf32>, vector<64x128xf32>, vector<1024x128xf32> -> vector<1024x128xf32>
    %add3A = arith.addf %dot_general3A_42, %dot_general3A_47 : vector<1024x128xf32>
    %get3A_48 = arith.constant 0 : index
    %get3A_49 = arith.constant 0 : index
    %get3A_50 = vector.load %arg9[%get3A_48, %get3A_49] : memref<1x128xf32, #tpu.memory_space<vmem>>, vector<1x128xf32>
    %add3A_51 = vector.broadcast %get3A_50 : vector<1x128xf32> to vector<1024x128xf32>
    %add3A_52 = arith.addf %add3A, %add3A_51 : vector<1024x128xf32>
    %max3A = arith.constant 0.000000e+00 : f32
    %max3A_53 = vector.broadcast %max3A : f32 to vector<1024x128xf32>
    %max3A_54 = arith.maximumf %add3A_52, %max3A_53 : vector<1024x128xf32>
    %get3A_55 = arith.constant 0 : index
    %get3A_56 = arith.constant 0 : index
    %get3A_57 = vector.load %arg10[%get3A_55, %get3A_56] : memref<128x64xf32, #tpu.memory_space<vmem>>, vector<128x64xf32>
    %dot_general3A_58 = arith.constant dense<0.000000e+00> : vector<1024x64xf32>
    %dot_general3A_59 = tpu.matmul %max3A_54, %get3A_57, %dot_general3A_58 {dimension_numbers = #tpu.dot_dimension_numbers<[1], [0], [0], [1], [0, 0, 1, 1], [], []>, transpose_lhs_hint = false} : vector<1024x128xf32>, vector<128x64xf32>, vector<1024x64xf32> -> vector<1024x64xf32>
    %get3A_60 = arith.constant 0 : index
    %get3A_61 = arith.constant 0 : index
    %get3A_62 = vector.load %arg11[%get3A_60, %get3A_61] : memref<1x64xf32, #tpu.memory_space<vmem>>, vector<1x64xf32>
    %add3A_63 = vector.broadcast %get3A_62 : vector<1x64xf32> to vector<1024x64xf32>
    %add3A_64 = arith.addf %dot_general3A_59, %add3A_63 : vector<1024x64xf32>
    %max3A_65 = arith.constant 0.000000e+00 : f32
    %max3A_66 = vector.broadcast %max3A_65 : f32 to vector<1024x64xf32>
    %max3A_67 = arith.maximumf %add3A_64, %max3A_66 : vector<1024x64xf32>
    %get3A_68 = arith.constant 0 : index
    %get3A_69 = arith.constant 0 : index
    %get3A_70 = vector.load %arg12[%get3A_68, %get3A_69] : memref<64x32xf32, #tpu.memory_space<vmem>>, vector<64x32xf32>
    %dot_general3A_71 = arith.constant dense<0.000000e+00> : vector<1024x32xf32>
    %dot_general3A_72 = tpu.matmul %max3A_67, %get3A_70, %dot_general3A_71 {dimension_numbers = #tpu.dot_dimension_numbers<[1], [0], [0], [1], [0, 0, 1, 1], [], []>, transpose_lhs_hint = false} : vector<1024x64xf32>, vector<64x32xf32>, vector<1024x32xf32> -> vector<1024x32xf32>
    %get3A_73 = arith.constant 0 : index
    %get3A_74 = arith.constant 0 : index
    %get3A_75 = vector.load %arg13[%get3A_73, %get3A_74] : memref<1x32xf32, #tpu.memory_space<vmem>>, vector<1x32xf32>
    %add3A_76 = vector.broadcast %get3A_75 : vector<1x32xf32> to vector<1024x32xf32>
    %add3A_77 = arith.addf %dot_general3A_72, %add3A_76 : vector<1024x32xf32>
    %max3A_78 = arith.constant 0.000000e+00 : f32
    %max3A_79 = vector.broadcast %max3A_78 : f32 to vector<1024x32xf32>
    %max3A_80 = arith.maximumf %add3A_77, %max3A_79 : vector<1024x32xf32>
    %get3A_81 = arith.constant 0 : index
    %get3A_82 = arith.constant 0 : index
    %get3A_83 = vector.load %arg14[%get3A_81, %get3A_82] : memref<32x16xf32, #tpu.memory_space<vmem>>, vector<32x16xf32>
    %dot_general3A_84 = arith.constant dense<0.000000e+00> : vector<1024x16xf32>
    %dot_general3A_85 = tpu.matmul %max3A_80, %get3A_83, %dot_general3A_84 {dimension_numbers = #tpu.dot_dimension_numbers<[1], [0], [0], [1], [0, 0, 1, 1], [], []>, transpose_lhs_hint = false} : vector<1024x32xf32>, vector<32x16xf32>, vector<1024x16xf32> -> vector<1024x16xf32>
    %get3A_86 = arith.constant 0 : index
    %get3A_87 = arith.constant 0 : index
    %get3A_88 = vector.load %arg15[%get3A_86, %get3A_87] : memref<1x16xf32, #tpu.memory_space<vmem>>, vector<1x16xf32>
    %add3A_89 = vector.broadcast %get3A_88 : vector<1x16xf32> to vector<1024x16xf32>
    %add3A_90 = arith.addf %dot_general3A_85, %add3A_89 : vector<1024x16xf32>
    %max3A_91 = arith.constant 0.000000e+00 : f32
    %max3A_92 = vector.broadcast %max3A_91 : f32 to vector<1024x16xf32>
    %max3A_93 = arith.maximumf %add3A_90, %max3A_92 : vector<1024x16xf32>
    %get3A_94 = arith.constant 0 : index
    %get3A_95 = arith.constant 0 : index
    %get3A_96 = vector.load %arg16[%get3A_94, %get3A_95] : memref<1x64xf32, #tpu.memory_space<vmem>>, vector<1x64xf32>
    %mul3A_97 = vector.broadcast %get3A_96 : vector<1x64xf32> to vector<1024x64xf32>
    %mul3A_98 = arith.mulf %mul3A, %mul3A_97 : vector<1024x64xf32>
    %reduce_sum3A = arith.constant dense<0.000000e+00> : vector<1024xf32>
    %reduce_sum3A_99 = vector.multi_reduction <add>, %mul3A_98, %reduce_sum3A [1] : vector<1024x64xf32> to vector<1024xf32>
    %get3A_100 = arith.constant 0 : index
    %get3A_101 = arith.constant 0 : index
    %get3A_102 = vector.load %arg17[%get3A_100, %get3A_101] : memref<1x16xf32, #tpu.memory_space<vmem>>, vector<1x16xf32>
    %mul3A_103 = vector.broadcast %get3A_102 : vector<1x16xf32> to vector<1024x16xf32>
    %mul3A_104 = arith.mulf %max3A_93, %mul3A_103 : vector<1024x16xf32>
    %reduce_sum3A_105 = arith.constant dense<0.000000e+00> : vector<1024xf32>
    %reduce_sum3A_106 = vector.multi_reduction <add>, %mul3A_104, %reduce_sum3A_105 [1] : vector<1024x16xf32> to vector<1024xf32>
    %add3A_107 = arith.addf %reduce_sum3A_99, %reduce_sum3A_106 : vector<1024xf32>
    %get3A_108 = arith.constant 0 : index
    %get3A_109 = arith.constant 0 : index
    %get3A_110 = vector.load %arg18[%get3A_108, %get3A_109] : memref<1x1xf32, #tpu.memory_space<vmem>>, vector<1x1xf32>
    %get3A_111 = vector.extract %get3A_110[0, 0] : f32 from vector<1x1xf32>
    %add3A_112 = vector.broadcast %get3A_111 : f32 to vector<1024xf32>
    %add3A_113 = arith.addf %add3A_107, %add3A_112 : vector<1024xf32>
    %logistic3A = arith.negf %add3A_113 : vector<1024xf32>
    %logistic3A_114 = math.exp %logistic3A : vector<1024xf32>
    %logistic3A_115 = arith.constant 1.000000e+00 : f32
    %logistic3A_116 = vector.broadcast %logistic3A_115 : f32 to vector<1024xf32>
    %logistic3A_117 = arith.addf %logistic3A_116, %logistic3A_114 : vector<1024xf32>
    %logistic3A_118 = arith.divf %logistic3A_116, %logistic3A_117 : vector<1024xf32>
    %swap3A = arith.constant 0 : index
    %swap3A_119 = vector.load %arg19[%swap3A] : memref<1024xf32, #tpu.memory_space<vmem>>, vector<1024xf32>
    tpu.vector_store %arg19[%swap3A], %logistic3A_118 {strides = array<i32>} : memref<1024xf32, #tpu.memory_space<vmem>>, vector<1024xf32>,
    return
  }
  func.func @transform_0(%arg0: i32) -> (i32, i32) {
    %c0_i32 = arith.constant 0 : i32
    %c0_i32_0 = arith.constant 0 : i32
    return %arg0, %c0_i32 : i32, i32
  }
  func.func @transform_1(%arg0: i32) -> (i32, i32) {
    %c0_i32 = arith.constant 0 : i32
    %c0_i32_0 = arith.constant 0 : i32
    return %arg0, %c0_i32 : i32, i32
  }
  func.func @transform_2(%arg0: i32) -> (i32, i32) {
    %c0_i32 = arith.constant 0 : i32
    %c0_i32_0 = arith.constant 0 : i32
    return %arg0, %c0_i32 : i32, i32
  }
  func.func @transform_3(%arg0: i32) -> (i32, i32) {
    %c0_i32 = arith.constant 0 : i32
    %c0_i32_0 = arith.constant 0 : i32
    return %arg0, %c0_i32 : i32, i32
  }
  func.func @transform_4(%arg0: i32) -> (i32, i32) {
    %c0_i32 = arith.constant 0 : i32
    %c0_i32_0 = arith.constant 0 : i32
    return %arg0, %c0_i32 : i32, i32
  }
  func.func @transform_5(%arg0: i32) -> (i32, i32) {
    %c0_i32 = arith.constant 0 : i32
    %c0_i32_0 = arith.constant 0 : i32
    return %arg0, %c0_i32 : i32, i32
  }
  func.func @transform_6(%arg0: i32) -> (i32, i32) {
    %c0_i32 = arith.constant 0 : i32
    %c0_i32_0 = arith.constant 0 : i32
    %c0_i32_1 = arith.constant 0 : i32
    return %c0_i32, %c0_i32_0 : i32, i32
  }
  func.func @transform_7(%arg0: i32) -> (i32, i32) {
    %c0_i32 = arith.constant 0 : i32
    %c0_i32_0 = arith.constant 0 : i32
    %c0_i32_1 = arith.constant 0 : i32
    return %c0_i32, %c0_i32_0 : i32, i32
  }
  func.func @transform_8(%arg0: i32) -> (i32, i32) {
    %c0_i32 = arith.constant 0 : i32
    %c0_i32_0 = arith.constant 0 : i32
    %c0_i32_1 = arith.constant 0 : i32
    return %c0_i32, %c0_i32_0 : i32, i32
  }
  func.func @transform_9(%arg0: i32) -> (i32, i32) {
    %c0_i32 = arith.constant 0 : i32
    %c0_i32_0 = arith.constant 0 : i32
    %c0_i32_1 = arith.constant 0 : i32
    return %c0_i32, %c0_i32_0 : i32, i32
  }
  func.func @transform_10(%arg0: i32) -> (i32, i32) {
    %c0_i32 = arith.constant 0 : i32
    %c0_i32_0 = arith.constant 0 : i32
    %c0_i32_1 = arith.constant 0 : i32
    return %c0_i32, %c0_i32_0 : i32, i32
  }
  func.func @transform_11(%arg0: i32) -> (i32, i32) {
    %c0_i32 = arith.constant 0 : i32
    %c0_i32_0 = arith.constant 0 : i32
    %c0_i32_1 = arith.constant 0 : i32
    return %c0_i32, %c0_i32_0 : i32, i32
  }
  func.func @transform_12(%arg0: i32) -> (i32, i32) {
    %c0_i32 = arith.constant 0 : i32
    %c0_i32_0 = arith.constant 0 : i32
    %c0_i32_1 = arith.constant 0 : i32
    return %c0_i32, %c0_i32_0 : i32, i32
  }
  func.func @transform_13(%arg0: i32) -> (i32, i32) {
    %c0_i32 = arith.constant 0 : i32
    %c0_i32_0 = arith.constant 0 : i32
    %c0_i32_1 = arith.constant 0 : i32
    return %c0_i32, %c0_i32_0 : i32, i32
  }
  func.func @transform_14(%arg0: i32) -> (i32, i32) {
    %c0_i32 = arith.constant 0 : i32
    %c0_i32_0 = arith.constant 0 : i32
    %c0_i32_1 = arith.constant 0 : i32
    return %c0_i32, %c0_i32_0 : i32, i32
  }
  func.func @transform_15(%arg0: i32) -> (i32, i32) {
    %c0_i32 = arith.constant 0 : i32
    %c0_i32_0 = arith.constant 0 : i32
    %c0_i32_1 = arith.constant 0 : i32
    return %c0_i32, %c0_i32_0 : i32, i32
  }
  func.func @transform_16(%arg0: i32) -> (i32, i32) {
    %c0_i32 = arith.constant 0 : i32
    %c0_i32_0 = arith.constant 0 : i32
    %c0_i32_1 = arith.constant 0 : i32
    return %c0_i32, %c0_i32_0 : i32, i32
  }
  func.func @transform_17(%arg0: i32) -> (i32, i32) {
    %c0_i32 = arith.constant 0 : i32
    %c0_i32_0 = arith.constant 0 : i32
    %c0_i32_1 = arith.constant 0 : i32
    return %c0_i32, %c0_i32_0 : i32, i32
  }
  func.func @transform_18(%arg0: i32) -> i32 {
    %c0_i32 = arith.constant 0 : i32
    return %arg0 : i32
  }
}

</mosaic_0001>

<sc_bundles>
// kernel: kernel.4.cloned.1.call-start
scs
__scs_entry_jumppad:
0x0: {  	(pc) =	sbr.rel $0x88, $3  }
0x1: {  	(tag) =	ssettag $0x0;
	lr =	simm.s32 $0x1  }
0x2: {  	[smem:$0x3F91] =	sst lr;
	_ =	strace $0xD0000000  }
0x3: {  	_ = 	snop  }
0x4: {  	_ = 	snop  }
0x5: {  	_ = 	snop  }
0x6: {  	_ = 	snop  }
0x7: {  	_ = 	snop  }
__scs_overlays_trampoline_lowered:
0x8: {  	[smem:$0x3FA0] =	sst s0  }
0x9: {  	[smem:$0x3FA1] =	sst s1  }
0xa: {  	[smem:$0x3FA2] =	sst s2  }
0xb: {  	[smem:$0x3FA3] =	sst s3  }
0xc: {  	[smem:$0x3FA4] =	sst s4  }
0xd: {  	[smem:$0x3FA5] =	sst s5  }
0xe: {  	[smem:$0x3FA6] =	sst s6  }
0xf: {  	[smem:$0x3FA7] =	sst s7  }
0x10: {  	[smem:$0x3FA8] =	sst s8  }
0x11: {  	[smem:$0x3FA9] =	sst s9;
	s0 =	simm.s32 @!p0 $0x0  }
0x12: {  	s1 =	sld [smem:$0x3F8F];
	s0 =	simm.s32 @p0 $0x1  }
0x13: {  	[smem:$0x3FAA] =	sst s0;
	s0 =	simm.s32 @!p1 $0x0  }
0x14: {  	s2 =	sld [smem:$0x3F8E];
	s0 =	simm.s32 @p1 $0x1  }
0x15: {  	[smem:$0x3FAB] =	sst s0;
	s0 =	simm.s32 @!p2 $0x0  }
0x16: {  	s3 =	sld [smem:$0x3FDB];
	s0 =	simm.s32 @p2 $0x1  }
0x17: {  	s4 =	simm.s32 $0x1BF5;
	[smem:$0x3FAD] =	sst s0  }
0x18: {  	s0 =	sld [smem:$0x3F90];
	_ =	swait.ge [sflag:s4], $0x0  }
0x19: {  	s7 =	sld [smem:$0x3F91]  }
0x1a: {  	s8 =	sadd.s32 $0xFFFFE003, lr  }
0x1b: {  	s9 =	sadd.s32 $0xFFFFFEF7, lr;
	s5 =	simm.s32 $0xFFFFFFFF;
	p2 =	slt.u32 s8, $0xFFFFF086  }
0x1c: {  	p1 =	slt.u32 s9, $0xF7A;
	s5 =	simm.s32 @!p2 $0x0  }
0x1d: {  	s5 =	simm.s32 @p1 $0x1;
	p0 =	seq.s32 s7, s2  }
0x1e: {  	s7 =	smul.u32 @!p0 $0xF7A, s2;
	p2 =	seq.s32 @!p0 s5, $0x0  }
0x1f: {  	s9 =	smul.u32 $0xF7A, s1;
	s8 =	simm.s32 @!p0 $0x1BF5;
	p2 =	por !p2, p0  }
0x20: {  	[sflag:s8] =	ssyncset.s32 @!p0 $0xFFFFF086;
	s6 =	sadd.s32 @!p0 s3, s7;
	s7 =	simm.s32 @!p0 $0x108  }
0x21: {  	s3 =	sadd.s32 s3, s9;
	s6 =	sadd.s32 @!p0 $0x88, s6;
	s7 =	simm.s32 @p2 $0x1082  }
0x22: {  	[simem:s7], [sflag:s8] =	dma.local @!p0 [hbm:s6], $0xF7A  }
0x23: {  	s9 =	sor.u32 $0xD0000000, s2;
	s6 =	simm.s32 $0x108;
	_ =	swait.ge @!p0 [sflag:s8], $0x0  }
0x24: {  	s3 =	sadd.s32 $0x88, s3;
	s6 =	simm.s32 @!p1 $0x1082;
	[sflag:s4] =	ssyncset.s32 $0xFFFFF086  }
0x25: {  	[simem:s6], [sflag:s4] =	dma.local [hbm:s3], $0xF7A  }
0x26: {  	[smem:$0x3F91] =	sst s1;
	(tag) =	ssettag s2;
	_ =	strace s9  }
0x27: {  	s1 =	sld [smem:$0x3FA1]  }
0x28: {  	s2 =	sld [smem:$0x3FA2]  }
0x29: {  	s4 =	sld [smem:$0x3FA4]  }
0x2a: {  	p0 =	seq.s32 s5, $0x0;
	s5 =	sld [smem:$0x3FA5]  }
0x2b: {  	s6 =	sld [smem:$0x3FA6]  }
0x2c: {  	s7 =	sld [smem:$0x3FA7]  }
0x2d: {  	s3 =	simm.s32 $0x108;
	s8 =	sld [smem:$0x3FA8]  }
0x2e: {  	s3 =	simm.s32 @!p0 $0x1082;
	s9 =	sld [smem:$0x3FA9]  }
0x2f: {  	lr =	sadd.s32 s0, s3;
	s0 =	sld [smem:$0x3FA0]  }
0x30: {  	s3 =	sld [smem:$0x3FA3]  }
0x31: {  	[smem:$0x3FAC] =	sst s10  }
0x32: {  	s10 =	sld [smem:$0x3FAA];
	_ =	sdelay $0x3  }
0x33: {  	p0 =	seq.s32 s10, $0x1;
	s10 =	sld [smem:$0x3FAC];
	_ =	sdelay $0x3  }
0x34: {  	[smem:$0x3FAC] =	sst s10  }
0x35: {  	s10 =	sld [smem:$0x3FAB];
	_ =	sdelay $0x3  }
0x36: {  	p1 =	seq.s32 s10, $0x1;
	s10 =	sld [smem:$0x3FAC];
	_ =	sdelay $0x3  }
0x37: {  	[smem:$0x3FAC] =	sst s10  }
0x38: {  	s10 =	sld [smem:$0x3FAD]  }
0x39: {  	_ = 	snop;
	(pc) =	sbr.ind lr, $3  }
0x3a: {  	_ = 	snop  }
0x3b: {  	_ = 	snop  }
0x3c: {  	p2 =	seq.s32 s10, $0x1;
	s10 =	sld [smem:$0x3FAC]  }
0x3d: {  	_ =	shalt  }
0x3e: {  	_ =	shalt  }
0x3f: {  	_ =	shalt  }
0x40: {  	_ =	shalt  }
0x41: {  	_ =	shalt  }
0x42: {  	_ =	shalt  }
0x43: {  	_ =	shalt  }
0x44: {  	_ =	shalt  }
0x45: {  	_ =	shalt  }
0x46: {  	_ =	shalt  }
0x47: {  	_ =	shalt  }
0x48: {  	_ =	shalt  }
0x49: {  	_ =	shalt  }
0x4a: {  	_ =	shalt  }
0x4b: {  	_ =	shalt  }
0x4c: {  	_ =	shalt  }
0x4d: {  	_ =	shalt  }
0x4e: {  	_ =	shalt  }
0x4f: {  	_ =	shalt  }
0x50: {  	_ =	shalt  }
0x51: {  	_ =	shalt  }
0x52: {  	_ =	shalt  }
0x53: {  	_ =	shalt  }
0x54: {  	_ =	shalt  }
0x55: {  	_ =	shalt  }
0x56: {  	_ =	shalt  }
0x57: {  	_ =	shalt  }
0x58: {  	_ =	shalt  }
0x59: {  	_ =	shalt  }
0x5a: {  	_ =	shalt  }
0x5b: {  	_ =	shalt  }
0x5c: {  	_ =	shalt  }
0x5d: {  	_ =	shalt  }
0x5e: {  	_ =	shalt  }
0x5f: {  	_ =	shalt  }
0x60: {  	_ =	shalt  }
0x61: {  	_ =	shalt  }
0x62: {  	_ =	shalt  }
0x63: {  	_ =	shalt  }
0x64: {  	_ =	shalt  }
0x65: {  	_ =	shalt  }
0x66: {  	_ =	shalt  }
0x67: {  	_ =	shalt  }
0x68: {  	_ =	shalt  }
0x69: {  	_ =	shalt  }
0x6a: {  	_ =	shalt  }
0x6b: {  	_ =	shalt  }
0x6c: {  	_ =	shalt  }
0x6d: {  	_ =	shalt  }
0x6e: {  	_ =	shalt  }
0x6f: {  	_ =	shalt  }
0x70: {  	_ =	shalt  }
0x71: {  	_ =	shalt  }
0x72: {  	_ =	shalt  }
0x73: {  	_ =	shalt  }
0x74: {  	_ =	shalt  }
0x75: {  	_ =	shalt  }
0x76: {  	_ =	shalt  }
0x77: {  	_ =	shalt  }
0x78: {  	_ =	shalt  }
0x79: {  	_ =	shalt  }
0x7a: {  	_ =	shalt  }
0x7b: {  	_ =	shalt  }
0x7c: {  	_ =	shalt  }
0x7d: {  	_ =	shalt  }
0x7e: {  	_ =	shalt  }
0x7f: {  	_ =	shalt  }
0x80: {  	_ =	shalt  }
0x81: {  	_ =	shalt  }
0x82: {  	_ =	shalt  }
0x83: {  	_ =	shalt  }
0x84: {  	_ =	shalt  }
0x85: {  	_ =	shalt  }
0x86: {  	_ =	shalt  }
0x87: {  	_ =	shalt  }
.Lfunc_end0:
.L_simem_size_0:
called_computation_lowered:
.L_overlay_start_0:
0x88: {  	s2 =	sld [smem:$0x3FD9]  }
0x89: {  	s3 =	sld [smem:$0x3FFE];
	_ =	sdelay $0x1  }
0x8a: {  	s1 =	srdreg.scid  }
0x8b: {  	s0 =	sand.u32 $0x1, s1  }
0x8c: {  	s17 =	sshll.u32 s0, $0xA;
	s2 =	sadd.s32 s3, s2  }
0x8d: {  	s2 =	sadd.s32 s2, s17  }
0x8e: {  	[smem:$0x3FB8] =	sst s2  }
0x8f: {  	_ = 	snop  }
0x90: {  	s2 =	sld [smem:$0x3FD0];
	(tm) =	ssettm $0x1  }
0x91: {  	s18 =	sld [smem:$0x3FFB];
	_ =	sdelay $0x3  }
0x92: {  	_ =	strace s18  }
0x93: {  	s3 =	sld [smem:$0x3FFC];
	_ =	sdelay $0x3  }
0x94: {  	_ =	strace s3  }
0x95: {  	s3 =	sld [smem:$0x3FFD];
	_ =	sdelay $0x3  }
0x96: {  	_ =	strace s3  }
0x97: {  	_ =	strace $0x8FFFFFFF  }
0x98: {  	s19 =	sld [smem:$0x3FDB];
	_ =	sdelay $0x1  }
0x99: {  	s4 =	simm.s32 $_scs_section_size  }
0x9a: {  	s5 =	simm.s32 $_size__tile_overlayer_lowered;
	s6 =	simm.s32 $_tile_overlayer_lowered  }
0x9b: {  	s22 =	simm.s32 $0x1BFF;
	s21 =	sshll.u32 s6, $0x1;
	s3 =	sadd.s32 s4, s19  }
0x9c: {  	s7 =	simm.s32 $0x0;
	s20 =	sshll.u32 s5, $0x1;
	s5 =	sadd.s32 s21, s3  }
0x9d: {  	[timem:s7], [sflag:s22] =	dma.local [hbm:s5], s20  }
0x9e: {  	_ =	swait.ge [sflag:s22], s20  }
0x9f: {  	s4 =	ssub.s32 $0x0, s20;
	[sflag:s22] =	ssyncset.done $0x0  }
0xa0: {  	[sflag:s22] =	ssyncadd.s32 s4;
	_ =	sdelay $0x1  }
0xa1: {  	s23 =	simm.s32 $0x1B8B  }
0xa2: {  	_ =	swait.ge [sflag:s23], $0x1  }
0xa3: {  	[sflag:s23] =	ssyncset.done $0x0  }
0xa4: {  	s25 =	simm.s32 $0x1B8E;
	s24 =	sld [smem:$0x3FFE];
	[sflag:s23] =	ssyncadd.s32 $0xFFFFFFFF  }
0xa5: {  	s26 =	simm.s32 $execute0_lowered;
	[smem:$0x3FD2] =	sst s25  }
0xa6: {  	s5 =	sshll.u32 s26, $0x1;
	_ =	strace $0x80000046;
	[dreg:$0x1] =	wrdreg $0xFFFFFFFF  }
0xa7: {  	s28 =	simm.s32 $_size_execute0_lowered;
	s3 =	sadd.s32 s3, s5;
	[dreg:$0x0] =	wrdreg $0x0  }
0xa8: {  	s5 =	sshll.u32 s28, $0x1;
	[dreg:$0x2] =	wrdreg s3  }
0xa9: {  	[dreg:$0x3] =	wrdreg s5  }
0xaa: {  	[dreg:$0x4] =	wrdreg $0xC0  }
0xab: {  	_ =	task [dreg:s7], $0x5FFFF  }
0xac: {  	[dreg:$0x1] =	wrdreg $0xFFFFFFFF  }
0xad: {  	[dreg:$0x0] =	wrdreg $0x60  }
0xae: {  	[dreg:$0x2] =	wrdreg s24  }
0xaf: {  	[dreg:$0x3] =	wrdreg s2  }
0xb0: {  	[dreg:$0x4] =	wrdreg $0x9  }
0xb1: {  	_ =	task.clear_ibuf [dreg:s7], $0x5FFFF;
	_ =	strace $0x90000046  }
0xb2: {  	s29 =	simm.s32 $0x9;
	_ =	strace $0x80000048  }
0xb3: {  	_ =	swait.ge [sflag:s29], $0x1  }
0xb4: {  	[sflag:s29] =	ssyncadd.s32 $0xFFFFFFFF  }
0xb5: {  	_ =	strace $0x90000048  }
0xb6: {  	_ =	sfence  }
0xb7: {  	s30 =	sld [smem:$0x0];
	_ =	sdelay $0x2  }
0xb8: {  	s31 =	sshll.u32 s1, $0xD;
	s1 =	sshrl.u32 s1, $0x2  }
0xb9: {  	s3 =	sand.u32 $0x4000, s31;
	s1 =	sadd.s32 s1, s30  }
0xba: {  	s0 =	sor.u32 s3, s0;
	s1 =	sshll.u32 s1, $0x11  }
0xbb: {  	s0 =	sor.u32 s1, s0  }
0xbc: {  	s0 =	sadd.s32 $0x8F2B, s0  }
0xbd: {  	[sflag:s0] =	ssyncadd.remote.s32 $0x1  }
0xbe: {  	_ =	sfence.sel $0xFFFF  }
0xbf: {  	[dreg:$0x0] =	wrdreg $0xFFFFFFFF;
	(pc) =	sbr.abs _section_cstart, $3  }
0xc0: {  	[dreg:$0x1] =	wrdreg $0xFFFFFFFF  }
0xc1: {  	_ =	task.clear_ibuf [dreg:s7], $0x2FFFF;
	_ =	strace $0x9FFFFFFF  }
0xc2: {  	(tm) =	ssettm $0x7FFFFFFF  }
0xc3: {  	_ =	shalt  }
tec
execute0_lowered:
.L_overlay_start_1:
0x0: {  	(tag) =	ssettag $0x1  }
0x1: {  	s0 =	rddreg [dreg:$0x0]  }
0x2: {  	s1 =	rddreg [dreg:$0x1];
	s2 =	simm.s32 $0x0  }
0x3: {  	s3 =	srdreg.scid;
	s4 =	stileid.u32;
	p0 =	por $0x0, $0x0  }
0x4: {  	[smem:$0x7FF] =	sst s2;
	s7 =	sadd.s32 $0x3A00, s0;
	s5 =	sshll.u32 s4, $0xA  }
0x5: {  	s6 =	sand.u32 $0x1, s3;
	s3 =	sadd.s32 $0xF44E00, s0;
	s4 =	sadd.s32 $0x189400, s0  }
0x6: {  	s9 =	sadd.s32 $0x4200, s0;
	s12 =	sadd.s32 $0x44200, s0;
	s8 =	sshll.u32 s6, $0x9  }
0x7: {  	s13 =	sadd.s32 $0x84200, s0;
	s14 =	sadd.s32 $0xC4200, s0;
	s8 =	sor.u32 s8, s5  }
0x8: {  	_ =	strace $0x80000047;
	s15 =	ssub.s32 $0x2, s6;
	s10 =	sshrl.u32 s8, $0x3  }
0x9: {  	s6 =	sadd.s32 $0x24CA00, s0;
	s5 =	sadd.s32 $0x16E6000, s0;
	s11 =	sadd.s32 s7, s10  }
0xa: {  	s16 =	sshll.u32 s8, $0x4;
	s10 =	sadd.s32 s1, s10;
	[dreg:$0x3] =	wrdreg s11  }
0xb: {  	s20 =	sor.u32 $0x80, s8;
	s17 =	sadd.s32 s9, s16;
	[dreg:$0x4] =	wrdreg s10  }
0xc: {  	s23 =	sor.u32 $0x100, s8;
	s18 =	sadd.s32 s12, s16;
	[dreg:$0x5] =	wrdreg s17  }
0xd: {  	s8 =	sor.u32 $0x180, s8;
	s19 =	sadd.s32 s13, s16;
	[dreg:$0x6] =	wrdreg s18  }
0xe: {  	s21 =	sadd.s32 s14, s16;
	s22 =	sshrl.u32 s20, $0x3;
	[dreg:$0x7] =	wrdreg s19  }
0xf: {  	s16 =	sshrl.u32 s15, $0x1;
	s24 =	sshrl.u32 s23, $0x3;
	[dreg:$0x8] =	wrdreg s21  }
0x10: {  	s17 =	sadd.s32 s7, s22;
	s0 =	ssub.s32 s15, s16;
	s31 =	sadd.s32 s1, s22  }
0x11: {  	s10 =	sshll.u32 s20, $0x4;
	s25 =	sadd.s32 s7, s24;
	s24 =	sadd.s32 s1, s24  }
0x12: {  	s16 =	sshll.u32 s23, $0x4;
	s19 =	sshll.u32 s8, $0x4;
	s15 =	simm.s32 $0x100  }
0x13: {  	[dreg:$0x9] =	wrdreg s17;
	s30 =	sadd.s32 s9, s10;
	s29 =	sadd.s32 s12, s10  }
0x14: {  	s28 =	sadd.s32 s13, s10;
	s26 =	sadd.s32 s14, s10;
	s23 =	sadd.s32 s9, s16  }
0x15: {  	s21 =	sadd.s32 s12, s16;
	s17 =	sshrl.u32 s8, $0x3;
	s0 =	smax.u32 s0, $0x1  }
0x16: {  	s22 =	sadd.s32 s13, s16;
	s20 =	sadd.s32 s14, s16;
	p1 =	sne.s32 s0, $0x1  }
.Ltmp0:
0x17: {  	s11 =	sadd.s32 s9, s19;
	s10 =	sadd.s32 s12, s19;
	(pc) =	sbr.rel @!p1 .LBB2_3-.Ltmp0, $4  }
0x18: {  	s9 =	sadd.s32 s13, s19;
	s8 =	sadd.s32 s14, s19;
	s19 =	simm.s32 $0x80  }
0x19: {  	s14 =	simm.s32 $0x4100;
	s13 =	simm.s32 $0x8100;
	s12 =	simm.s32 $0xC100  }
0x1a: {  	s16 =	simm.s32 $0x1;
	s18 =	sadd.s32 s7, s17;
	s17 =	sadd.s32 s1, s17  }
0x1b: {  	s7 =	simm.s32 $0x2;
	s0 =	sadd.s32 $0xFFFFFFFF, s0;
	s1 =	rddreg [dreg:$0x3]  }
0x1c: {  	[tilespmem:s2], [sflag:$0x2] =	stream.linear.gather [hbm4b:s1+s2], $0x80, $0x38;
	[tilespmem:$0x10100] =	vst v63  }
0x1d: {  	_ =	swait.ge [sflag:s7], $0x80  }
0x1e: {  	[sflag:s7] =	ssyncset.done $0x0  }
0x1f: {  	s1 =	rddreg [dreg:$0x4];
	[sflag:s7] =	ssyncadd.s32 $0xFFFFFF80  }
0x20: {  	[tilespmem:s19], [sflag:$0x2] =	stream.linear.gather [hbm4b:s1+s2], $0x80, $0x38;
	[tilespmem:$0x10100] =	vst v63  }
0x21: {  	_ =	swait.ge [sflag:s7], $0x80  }
0x22: {  	[sflag:s7] =	ssyncset.done $0x0  }
0x23: {  	[sflag:s7] =	ssyncadd.s32 $0xFFFFFF80  }
0x24: {  	[tilespmem:s15], [sflag:$0x1] =	stream.indirect.gather [hbm4b:s3+s19], $0x80, s2, s19, $0xb8;
	[tilespmem:$0x10100] =	vst v63  }
0x25: {  	_ = 	snop  }
0x26: {  	[tilespmem:s14], [sflag:$0x1] =	stream.indirect.gather [hbm4b:s4+s19], $0x80, s19, s19, $0xb8;
	[tilespmem:$0x10100] =	vst v63  }
0x27: {  	_ = 	snop  }
0x28: {  	[tilespmem:s13], [sflag:$0x1] =	stream.indirect.gather [hbm4b:s5+s19], $0x80, s2, s19, $0xb8;
	[tilespmem:$0x10100] =	vst v63  }
0x29: {  	_ = 	snop  }
0x2a: {  	[tilespmem:s12], [sflag:$0x1] =	stream.indirect.gather [hbm4b:s6+s19], $0x80, s19, s19, $0xb8;
	[tilespmem:$0x10100] =	vst v63  }
0x2b: {  	_ =	swait.ge [sflag:s16], $0x4000  }
0x2c: {  	[sflag:s16] =	ssyncset.done $0x0  }
0x2d: {  	[sflag:s16] =	ssyncadd.s32 $0xFFFFC000  }
0x2e: {  	_ =	swait.ge [sflag:s16], $0x4000  }
0x2f: {  	[sflag:s16] =	ssyncset.done $0x0  }
0x30: {  	[sflag:s16] =	ssyncadd.s32 $0xFFFFC000  }
0x31: {  	_ =	swait.ge [sflag:s16], $0x4000  }
0x32: {  	[sflag:s16] =	ssyncset.done $0x0  }
0x33: {  	[sflag:s16] =	ssyncadd.s32 $0xFFFFC000  }
0x34: {  	_ =	swait.ge [sflag:s16], $0x4000  }
0x35: {  	[sflag:s16] =	ssyncset.done $0x0  }
0x36: {  	s1 =	rddreg [dreg:$0x5];
	[sflag:s16] =	ssyncadd.s32 $0xFFFFC000  }
0x37: {  	[hbm4b:s1+s2] =	stream.linear.scatter [tilespmem:s15], [sflag:$0x2], $0x4000, $0x38;
	[tilespmem:$0x10100] =	vst v63  }
0x38: {  	_ =	swait.ge [sflag:s7], $0x4000  }
0x39: {  	[sflag:s7] =	ssyncset.done $0x0  }
0x3a: {  	s1 =	rddreg [dreg:$0x6];
	[sflag:s7] =	ssyncadd.s32 $0xFFFFC000  }
0x3b: {  	[hbm4b:s1+s2] =	stream.linear.scatter [tilespmem:s14], [sflag:$0x2], $0x4000, $0x38;
	[tilespmem:$0x10100] =	vst v63  }
0x3c: {  	_ =	swait.ge [sflag:s7], $0x4000  }
0x3d: {  	[sflag:s7] =	ssyncset.done $0x0  }
0x3e: {  	s1 =	rddreg [dreg:$0x7];
	[sflag:s7] =	ssyncadd.s32 $0xFFFFC000  }
0x3f: {  	[hbm4b:s1+s2] =	stream.linear.scatter [tilespmem:s13], [sflag:$0x2], $0x4000, $0x38;
	[tilespmem:$0x10100] =	vst v63  }
0x40: {  	_ =	swait.ge [sflag:s7], $0x4000  }
0x41: {  	[sflag:s7] =	ssyncset.done $0x0  }
0x42: {  	s1 =	rddreg [dreg:$0x8];
	[sflag:s7] =	ssyncadd.s32 $0xFFFFC000  }
0x43: {  	[hbm4b:s1+s2] =	stream.linear.scatter [tilespmem:s12], [sflag:$0x2], $0x4000, $0x38;
	[tilespmem:$0x10100] =	vst v63  }
0x44: {  	_ =	swait.ge [sflag:s7], $0x4000  }
0x45: {  	[sflag:s7] =	ssyncset.done $0x0  }
0x46: {  	s1 =	rddreg [dreg:$0x9];
	[sflag:s7] =	ssyncadd.s32 $0xFFFFC000  }
0x47: {  	[tilespmem:s2], [sflag:$0x2] =	stream.linear.gather [hbm4b:s1+s2], $0x80, $0x38;
	[tilespmem:$0x10100] =	vst v63  }
0x48: {  	_ =	swait.ge [sflag:s7], $0x80  }
0x49: {  	[sflag:s7] =	ssyncset.done $0x0  }
0x4a: {  	[sflag:s7] =	ssyncadd.s32 $0xFFFFFF80  }
0x4b: {  	[tilespmem:s19], [sflag:$0x2] =	stream.linear.gather [hbm4b:s31+s2], $0x80, $0x38;
	[tilespmem:$0x10100] =	vst v63  }
0x4c: {  	_ =	swait.ge [sflag:s7], $0x80  }
0x4d: {  	[sflag:s7] =	ssyncset.done $0x0  }
0x4e: {  	[sflag:s7] =	ssyncadd.s32 $0xFFFFFF80  }
0x4f: {  	[tilespmem:s15], [sflag:$0x1] =	stream.indirect.gather [hbm4b:s3+s19], $0x80, s2, s19, $0xb8;
	[tilespmem:$0x10100] =	vst v63  }
0x50: {  	_ = 	snop  }
0x51: {  	[tilespmem:s14], [sflag:$0x1] =	stream.indirect.gather [hbm4b:s4+s19], $0x80, s19, s19, $0xb8;
	[tilespmem:$0x10100] =	vst v63  }
0x52: {  	_ = 	snop  }
0x53: {  	[tilespmem:s13], [sflag:$0x1] =	stream.indirect.gather [hbm4b:s5+s19], $0x80, s2, s19, $0xb8;
	[tilespmem:$0x10100] =	vst v63  }
0x54: {  	_ = 	snop  }
0x55: {  	[tilespmem:s12], [sflag:$0x1] =	stream.indirect.gather [hbm4b:s6+s19], $0x80, s19, s19, $0xb8;
	[tilespmem:$0x10100] =	vst v63  }
0x56: {  	_ =	swait.ge [sflag:s16], $0x4000  }
0x57: {  	[sflag:s16] =	ssyncset.done $0x0  }
0x58: {  	[sflag:s16] =	ssyncadd.s32 $0xFFFFC000  }
0x59: {  	_ =	swait.ge [sflag:s16], $0x4000  }
0x5a: {  	[sflag:s16] =	ssyncset.done $0x0  }
0x5b: {  	[sflag:s16] =	ssyncadd.s32 $0xFFFFC000  }
0x5c: {  	_ =	swait.ge [sflag:s16], $0x4000  }
0x5d: {  	[sflag:s16] =	ssyncset.done $0x0  }
0x5e: {  	[sflag:s16] =	ssyncadd.s32 $0xFFFFC000  }
0x5f: {  	_ =	swait.ge [sflag:s16], $0x4000  }
0x60: {  	[sflag:s16] =	ssyncset.done $0x0  }
0x61: {  	[sflag:s16] =	ssyncadd.s32 $0xFFFFC000  }
0x62: {  	[hbm4b:s30+s2] =	stream.linear.scatter [tilespmem:s15], [sflag:$0x2], $0x4000, $0x38;
	[tilespmem:$0x10100] =	vst v63  }
0x63: {  	_ =	swait.ge [sflag:s7], $0x4000  }
0x64: {  	[sflag:s7] =	ssyncset.done $0x0  }
0x65: {  	[sflag:s7] =	ssyncadd.s32 $0xFFFFC000  }
0x66: {  	[hbm4b:s29+s2] =	stream.linear.scatter [tilespmem:s14], [sflag:$0x2], $0x4000, $0x38;
	[tilespmem:$0x10100] =	vst v63  }
0x67: {  	_ =	swait.ge [sflag:s7], $0x4000  }
0x68: {  	[sflag:s7] =	ssyncset.done $0x0  }
0x69: {  	[sflag:s7] =	ssyncadd.s32 $0xFFFFC000  }
0x6a: {  	[hbm4b:s28+s2] =	stream.linear.scatter [tilespmem:s13], [sflag:$0x2], $0x4000, $0x38;
	[tilespmem:$0x10100] =	vst v63  }
0x6b: {  	_ =	swait.ge [sflag:s7], $0x4000  }
0x6c: {  	[sflag:s7] =	ssyncset.done $0x0  }
0x6d: {  	[sflag:s7] =	ssyncadd.s32 $0xFFFFC000  }
0x6e: {  	[hbm4b:s26+s2] =	stream.linear.scatter [tilespmem:s12], [sflag:$0x2], $0x4000, $0x38;
	[tilespmem:$0x10100] =	vst v63  }
0x6f: {  	_ =	swait.ge [sflag:s7], $0x4000  }
0x70: {  	[sflag:s7] =	ssyncset.done $0x0  }
0x71: {  	[sflag:s7] =	ssyncadd.s32 $0xFFFFC000  }
0x72: {  	[tilespmem:s2], [sflag:$0x2] =	stream.linear.gather [hbm4b:s25+s2], $0x80, $0x38;
	[tilespmem:$0x10100] =	vst v63  }
0x73: {  	_ =	swait.ge [sflag:s7], $0x80  }
0x74: {  	[sflag:s7] =	ssyncset.done $0x0  }
0x75: {  	[sflag:s7] =	ssyncadd.s32 $0xFFFFFF80  }
0x76: {  	[tilespmem:s19], [sflag:$0x2] =	stream.linear.gather [hbm4b:s24+s2], $0x80, $0x38;
	[tilespmem:$0x10100] =	vst v63  }
0x77: {  	_ =	swait.ge [sflag:s7], $0x80  }
0x78: {  	[sflag:s7] =	ssyncset.done $0x0  }
0x79: {  	[sflag:s7] =	ssyncadd.s32 $0xFFFFFF80  }
0x7a: {  	[tilespmem:s15], [sflag:$0x1] =	stream.indirect.gather [hbm4b:s3+s19], $0x80, s2, s19, $0xb8;
	[tilespmem:$0x10100] =	vst v63  }
0x7b: {  	_ = 	snop  }
0x7c: {  	[tilespmem:s14], [sflag:$0x1] =	stream.indirect.gather [hbm4b:s4+s19], $0x80, s19, s19, $0xb8;
	[tilespmem:$0x10100] =	vst v63  }
0x7d: {  	_ = 	snop  }
0x7e: {  	[tilespmem:s13], [sflag:$0x1] =	stream.indirect.gather [hbm4b:s5+s19], $0x80, s2, s19, $0xb8;
	[tilespmem:$0x10100] =	vst v63  }
0x7f: {  	_ = 	snop  }
0x80: {  	[tilespmem:s12], [sflag:$0x1] =	stream.indirect.gather [hbm4b:s6+s19], $0x80, s19, s19, $0xb8;
	[tilespmem:$0x10100] =	vst v63  }
0x81: {  	_ =	swait.ge [sflag:s16], $0x4000  }
0x82: {  	[sflag:s16] =	ssyncset.done $0x0  }
0x83: {  	[sflag:s16] =	ssyncadd.s32 $0xFFFFC000  }
0x84: {  	_ =	swait.ge [sflag:s16], $0x4000  }
0x85: {  	[sflag:s16] =	ssyncset.done $0x0  }
0x86: {  	[sflag:s16] =	ssyncadd.s32 $0xFFFFC000  }
0x87: {  	_ =	swait.ge [sflag:s16], $0x4000  }
0x88: {  	[sflag:s16] =	ssyncset.done $0x0  }
0x89: {  	[sflag:s16] =	ssyncadd.s32 $0xFFFFC000  }
0x8a: {  	_ =	swait.ge [sflag:s16], $0x4000  }
0x8b: {  	[sflag:s16] =	ssyncset.done $0x0  }
0x8c: {  	[sflag:s16] =	ssyncadd.s32 $0xFFFFC000  }
0x8d: {  	[hbm4b:s23+s2] =	stream.linear.scatter [tilespmem:s15], [sflag:$0x2], $0x4000, $0x38;
	[tilespmem:$0x10100] =	vst v63  }
0x8e: {  	_ =	swait.ge [sflag:s7], $0x4000  }
0x8f: {  	[sflag:s7] =	ssyncset.done $0x0  }
0x90: {  	[sflag:s7] =	ssyncadd.s32 $0xFFFFC000  }
0x91: {  	[hbm4b:s21+s2] =	stream.linear.scatter [tilespmem:s14], [sflag:$0x2], $0x4000, $0x38;
	[tilespmem:$0x10100] =	vst v63  }
0x92: {  	_ =	swait.ge [sflag:s7], $0x4000  }
0x93: {  	[sflag:s7] =	ssyncset.done $0x0  }
0x94: {  	[sflag:s7] =	ssyncadd.s32 $0xFFFFC000  }
0x95: {  	[hbm4b:s22+s2] =	stream.linear.scatter [tilespmem:s13], [sflag:$0x2], $0x4000, $0x38;
	[tilespmem:$0x10100] =	vst v63  }
0x96: {  	_ =	swait.ge [sflag:s7], $0x4000  }
0x97: {  	[sflag:s7] =	ssyncset.done $0x0  }
0x98: {  	[sflag:s7] =	ssyncadd.s32 $0xFFFFC000  }
0x99: {  	[hbm4b:s20+s2] =	stream.linear.scatter [tilespmem:s12], [sflag:$0x2], $0x4000, $0x38;
	[tilespmem:$0x10100] =	vst v63  }
0x9a: {  	_ =	swait.ge [sflag:s7], $0x4000  }
0x9b: {  	[sflag:s7] =	ssyncset.done $0x0  }
0x9c: {  	[sflag:s7] =	ssyncadd.s32 $0xFFFFC000  }
0x9d: {  	[tilespmem:s2], [sflag:$0x2] =	stream.linear.gather [hbm4b:s18+s2], $0x80, $0x38;
	[tilespmem:$0x10100] =	vst v63  }
0x9e: {  	_ =	swait.ge [sflag:s7], $0x80  }
0x9f: {  	[sflag:s7] =	ssyncset.done $0x0  }
0xa0: {  	[sflag:s7] =	ssyncadd.s32 $0xFFFFFF80  }
0xa1: {  	[tilespmem:s19], [sflag:$0x2] =	stream.linear.gather [hbm4b:s17+s2], $0x80, $0x38;
	[tilespmem:$0x10100] =	vst v63  }
0xa2: {  	_ =	swait.ge [sflag:s7], $0x80  }
0xa3: {  	[sflag:s7] =	ssyncset.done $0x0  }
0xa4: {  	[sflag:s7] =	ssyncadd.s32 $0xFFFFFF80  }
0xa5: {  	[tilespmem:s15], [sflag:$0x1] =	stream.indirect.gather [hbm4b:s3+s19], $0x80, s2, s19, $0xb8;
	[tilespmem:$0x10100] =	vst v63  }
0xa6: {  	_ = 	snop  }
0xa7: {  	[tilespmem:s14], [sflag:$0x1] =	stream.indirect.gather [hbm4b:s4+s19], $0x80, s19, s19, $0xb8;
	[tilespmem:$0x10100] =	vst v63  }
0xa8: {  	_ = 	snop  }
0xa9: {  	[tilespmem:s13], [sflag:$0x1] =	stream.indirect.gather [hbm4b:s5+s19], $0x80, s2, s19, $0xb8;
	[tilespmem:$0x10100] =	vst v63  }
0xaa: {  	_ = 	snop  }
0xab: {  	[tilespmem:s12], [sflag:$0x1] =	stream.indirect.gather [hbm4b:s6+s19], $0x80, s19, s19, $0xb8;
	[tilespmem:$0x10100] =	vst v63  }
0xac: {  	_ =	swait.ge [sflag:s16], $0x4000  }
0xad: {  	[sflag:s16] =	ssyncset.done $0x0  }
0xae: {  	[sflag:s16] =	ssyncadd.s32 $0xFFFFC000  }
0xaf: {  	_ =	swait.ge [sflag:s16], $0x4000  }
0xb0: {  	[sflag:s16] =	ssyncset.done $0x0  }
0xb1: {  	[sflag:s16] =	ssyncadd.s32 $0xFFFFC000  }
0xb2: {  	_ =	swait.ge [sflag:s16], $0x4000  }
0xb3: {  	[sflag:s16] =	ssyncset.done $0x0  }
0xb4: {  	[sflag:s16] =	ssyncadd.s32 $0xFFFFC000  }
0xb5: {  	_ =	swait.ge [sflag:s16], $0x4000  }
0xb6: {  	[sflag:s16] =	ssyncset.done $0x0  }
0xb7: {  	[sflag:s16] =	ssyncadd.s32 $0xFFFFC000  }
0xb8: {  	[hbm4b:s11+s2] =	stream.linear.scatter [tilespmem:s15], [sflag:$0x2], $0x4000, $0x38;
	[tilespmem:$0x10100] =	vst v63  }
0xb9: {  	_ =	swait.ge [sflag:s7], $0x4000  }
0xba: {  	[sflag:s7] =	ssyncset.done $0x0  }
0xbb: {  	[sflag:s7] =	ssyncadd.s32 $0xFFFFC000  }
0xbc: {  	[hbm4b:s10+s2] =	stream.linear.scatter [tilespmem:s14], [sflag:$0x2], $0x4000, $0x38;
	[tilespmem:$0x10100] =	vst v63  }
0xbd: {  	_ =	swait.ge [sflag:s7], $0x4000  }
0xbe: {  	[sflag:s7] =	ssyncset.done $0x0  }
0xbf: {  	[sflag:s7] =	ssyncadd.s32 $0xFFFFC000  }
0xc0: {  	[hbm4b:s9+s2] =	stream.linear.scatter [tilespmem:s13], [sflag:$0x2], $0x4000, $0x38;
	[tilespmem:$0x10100] =	vst v63  }
0xc1: {  	p1 =	sne.s32 s0, $0x1;
	_ =	swait.ge [sflag:s7], $0x4000  }
.Ltmp1:
0xc2: {  	[sflag:s7] =	ssyncset.done $0x0;
	(pc) =	sbr.rel @!p1 .LBB2_3-.Ltmp1, $4  }
0xc3: {  	[sflag:s7] =	ssyncadd.s32 $0xFFFFC000  }
0xc4: {  	[hbm4b:s8+s2] =	stream.linear.scatter [tilespmem:s12], [sflag:$0x2], $0x4000, $0x38;
	[tilespmem:$0x10100] =	vst v63  }
0xc5: {  	s0 =	sadd.s32 $0xFFFFFFFF, s0;
	_ =	swait.ge [sflag:s7], $0x4000  }
0xc6: {  	p0 =	por $0x1, $0x1;
	s1 =	rddreg [dreg:$0x3];
	[sflag:s7] =	ssyncset.done $0x0  }
.LBB2_2:
0xc7: {  	[sflag:s7] =	ssyncadd.s32 $0xFFFFC000  }
0xc8: {  	[tilespmem:s2], [sflag:$0x2] =	stream.linear.gather [hbm4b:s1+s2], $0x80, $0x38;
	[tilespmem:$0x10100] =	vst v63  }
0xc9: {  	_ =	swait.ge [sflag:s7], $0x80  }
0xca: {  	[sflag:s7] =	ssyncset.done $0x0  }
0xcb: {  	s1 =	rddreg [dreg:$0x4];
	[sflag:s7] =	ssyncadd.s32 $0xFFFFFF80  }
0xcc: {  	[tilespmem:s19], [sflag:$0x2] =	stream.linear.gather [hbm4b:s1+s2], $0x80, $0x38;
	[tilespmem:$0x10100] =	vst v63  }
0xcd: {  	_ =	swait.ge [sflag:s7], $0x80  }
0xce: {  	[sflag:s7] =	ssyncset.done $0x0  }
0xcf: {  	[sflag:s7] =	ssyncadd.s32 $0xFFFFFF80  }
0xd0: {  	[tilespmem:s15], [sflag:$0x1] =	stream.indirect.gather [hbm4b:s3+s19], $0x80, s2, s19, $0xb8;
	[tilespmem:$0x10100] =	vst v63  }
0xd1: {  	_ = 	snop  }
0xd2: {  	[tilespmem:s14], [sflag:$0x1] =	stream.indirect.gather [hbm4b:s4+s19], $0x80, s19, s19, $0xb8;
	[tilespmem:$0x10100] =	vst v63  }
0xd3: {  	_ = 	snop  }
0xd4: {  	[tilespmem:s13], [sflag:$0x1] =	stream.indirect.gather [hbm4b:s5+s19], $0x80, s2, s19, $0xb8;
	[tilespmem:$0x10100] =	vst v63  }
0xd5: {  	_ = 	snop  }
0xd6: {  	[tilespmem:s12], [sflag:$0x1] =	stream.indirect.gather [hbm4b:s6+s19], $0x80, s19, s19, $0xb8;
	[tilespmem:$0x10100] =	vst v63  }
0xd7: {  	_ =	swait.ge [sflag:s16], $0x4000  }
0xd8: {  	[sflag:s16] =	ssyncset.done $0x0  }
0xd9: {  	[sflag:s16] =	ssyncadd.s32 $0xFFFFC000  }
0xda: {  	_ =	swait.ge [sflag:s16], $0x4000  }
0xdb: {  	[sflag:s16] =	ssyncset.done $0x0  }
0xdc: {  	[sflag:s16] =	ssyncadd.s32 $0xFFFFC000  }
0xdd: {  	_ =	swait.ge [sflag:s16], $0x4000  }
0xde: {  	[sflag:s16] =	ssyncset.done $0x0  }
0xdf: {  	[sflag:s16] =	ssyncadd.s32 $0xFFFFC000  }
0xe0: {  	_ =	swait.ge [sflag:s16], $0x4000  }
0xe1: {  	[sflag:s16] =	ssyncset.done $0x0  }
0xe2: {  	s1 =	rddreg [dreg:$0x5];
	[sflag:s16] =	ssyncadd.s32 $0xFFFFC000  }
0xe3: {  	[hbm4b:s1+s2] =	stream.linear.scatter [tilespmem:s15], [sflag:$0x2], $0x4000, $0x38;
	[tilespmem:$0x10100] =	vst v63  }
0xe4: {  	_ =	swait.ge [sflag:s7], $0x4000  }
0xe5: {  	[sflag:s7] =	ssyncset.done $0x0  }
0xe6: {  	s1 =	rddreg [dreg:$0x6];
	[sflag:s7] =	ssyncadd.s32 $0xFFFFC000  }
0xe7: {  	[hbm4b:s1+s2] =	stream.linear.scatter [tilespmem:s14], [sflag:$0x2], $0x4000, $0x38;
	[tilespmem:$0x10100] =	vst v63  }
0xe8: {  	_ =	swait.ge [sflag:s7], $0x4000  }
0xe9: {  	[sflag:s7] =	ssyncset.done $0x0  }
0xea: {  	s1 =	rddreg [dreg:$0x7];
	[sflag:s7] =	ssyncadd.s32 $0xFFFFC000  }
0xeb: {  	[hbm4b:s1+s2] =	stream.linear.scatter [tilespmem:s13], [sflag:$0x2], $0x4000, $0x38;
	[tilespmem:$0x10100] =	vst v63  }
0xec: {  	_ =	swait.ge [sflag:s7], $0x4000  }
0xed: {  	[sflag:s7] =	ssyncset.done $0x0  }
0xee: {  	s1 =	rddreg [dreg:$0x8];
	[sflag:s7] =	ssyncadd.s32 $0xFFFFC000  }
0xef: {  	[hbm4b:s1+s2] =	stream.linear.scatter [tilespmem:s12], [sflag:$0x2], $0x4000, $0x38;
	[tilespmem:$0x10100] =	vst v63  }
0xf0: {  	_ =	swait.ge [sflag:s7], $0x4000  }
0xf1: {  	[sflag:s7] =	ssyncset.done $0x0  }
0xf2: {  	s1 =	rddreg [dreg:$0x9];
	[sflag:s7] =	ssyncadd.s32 $0xFFFFC000  }
0xf3: {  	[tilespmem:s2], [sflag:$0x2] =	stream.linear.gather [hbm4b:s1+s2], $0x80, $0x38;
	[tilespmem:$0x10100] =	vst v63  }
0xf4: {  	_ =	swait.ge [sflag:s7], $0x80  }
0xf5: {  	[sflag:s7] =	ssyncset.done $0x0  }
0xf6: {  	[sflag:s7] =	ssyncadd.s32 $0xFFFFFF80  }
0xf7: {  	[tilespmem:s19], [sflag:$0x2] =	stream.linear.gather [hbm4b:s31+s2], $0x80, $0x38;
	[tilespmem:$0x10100] =	vst v63  }
0xf8: {  	_ =	swait.ge [sflag:s7], $0x80  }
0xf9: {  	[sflag:s7] =	ssyncset.done $0x0  }
0xfa: {  	[sflag:s7] =	ssyncadd.s32 $0xFFFFFF80  }
0xfb: {  	[tilespmem:s15], [sflag:$0x1] =	stream.indirect.gather [hbm4b:s3+s19], $0x80, s2, s19, $0xb8;
	[tilespmem:$0x10100] =	vst v63  }
0xfc: {  	_ = 	snop  }
0xfd: {  	[tilespmem:s14], [sflag:$0x1] =	stream.indirect.gather [hbm4b:s4+s19], $0x80, s19, s19, $0xb8;
	[tilespmem:$0x10100] =	vst v63  }
0xfe: {  	_ = 	snop  }
0xff: {  	[tilespmem:s13], [sflag:$0x1] =	stream.indirect.gather [hbm4b:s5+s19], $0x80, s2, s19, $0xb8;
	[tilespmem:$0x10100] =	vst v63  }
0x100: {  	_ = 	snop  }
0x101: {  	[tilespmem:s12], [sflag:$0x1] =	stream.indirect.gather [hbm4b:s6+s19], $0x80, s19, s19, $0xb8;
	[tilespmem:$0x10100] =	vst v63  }
0x102: {  	_ =	swait.ge [sflag:s16], $0x4000  }
0x103: {  	[sflag:s16] =	ssyncset.done $0x0  }
0x104: {  	[sflag:s16] =	ssyncadd.s32 $0xFFFFC000  }
0x105: {  	_ =	swait.ge [sflag:s16], $0x4000  }
0x106: {  	[sflag:s16] =	ssyncset.done $0x0  }
0x107: {  	[sflag:s16] =	ssyncadd.s32 $0xFFFFC000  }
0x108: {  	_ =	swait.ge [sflag:s16], $0x4000  }
0x109: {  	[sflag:s16] =	ssyncset.done $0x0  }
0x10a: {  	[sflag:s16] =	ssyncadd.s32 $0xFFFFC000  }
0x10b: {  	_ =	swait.ge [sflag:s16], $0x4000  }
0x10c: {  	[sflag:s16] =	ssyncset.done $0x0  }
0x10d: {  	[sflag:s16] =	ssyncadd.s32 $0xFFFFC000  }
0x10e: {  	[hbm4b:s30+s2] =	stream.linear.scatter [tilespmem:s15], [sflag:$0x2], $0x4000, $0x38;
	[tilespmem:$0x10100] =	vst v63  }
0x10f: {  	_ =	swait.ge [sflag:s7], $0x4000  }
0x110: {  	[sflag:s7] =	ssyncset.done $0x0  }
0x111: {  	[sflag:s7] =	ssyncadd.s32 $0xFFFFC000  }
0x112: {  	[hbm4b:s29+s2] =	stream.linear.scatter [tilespmem:s14], [sflag:$0x2], $0x4000, $0x38;
	[tilespmem:$0x10100] =	vst v63  }
0x113: {  	_ =	swait.ge [sflag:s7], $0x4000  }
0x114: {  	[sflag:s7] =	ssyncset.done $0x0  }
0x115: {  	[sflag:s7] =	ssyncadd.s32 $0xFFFFC000  }
0x116: {  	[hbm4b:s28+s2] =	stream.linear.scatter [tilespmem:s13], [sflag:$0x2], $0x4000, $0x38;
	[tilespmem:$0x10100] =	vst v63  }
0x117: {  	_ =	swait.ge [sflag:s7], $0x4000  }
0x118: {  	[sflag:s7] =	ssyncset.done $0x0  }
0x119: {  	[sflag:s7] =	ssyncadd.s32 $0xFFFFC000  }
0x11a: {  	[hbm4b:s26+s2] =	stream.linear.scatter [tilespmem:s12], [sflag:$0x2], $0x4000, $0x38;
	[tilespmem:$0x10100] =	vst v63  }
0x11b: {  	_ =	swait.ge [sflag:s7], $0x4000  }
0x11c: {  	[sflag:s7] =	ssyncset.done $0x0  }
0x11d: {  	[sflag:s7] =	ssyncadd.s32 $0xFFFFC000  }
0x11e: {  	[tilespmem:s2], [sflag:$0x2] =	stream.linear.gather [hbm4b:s25+s2], $0x80, $0x38;
	[tilespmem:$0x10100] =	vst v63  }
0x11f: {  	_ =	swait.ge [sflag:s7], $0x80  }
0x120: {  	[sflag:s7] =	ssyncset.done $0x0  }
0x121: {  	[sflag:s7] =	ssyncadd.s32 $0xFFFFFF80  }
0x122: {  	[tilespmem:s19], [sflag:$0x2] =	stream.linear.gather [hbm4b:s24+s2], $0x80, $0x38;
	[tilespmem:$0x10100] =	vst v63  }
0x123: {  	_ =	swait.ge [sflag:s7], $0x80  }
0x124: {  	[sflag:s7] =	ssyncset.done $0x0  }
0x125: {  	[sflag:s7] =	ssyncadd.s32 $0xFFFFFF80  }
0x126: {  	[tilespmem:s15], [sflag:$0x1] =	stream.indirect.gather [hbm4b:s3+s19], $0x80, s2, s19, $0xb8;
	[tilespmem:$0x10100] =	vst v63  }
0x127: {  	_ = 	snop  }
0x128: {  	[tilespmem:s14], [sflag:$0x1] =	stream.indirect.gather [hbm4b:s4+s19], $0x80, s19, s19, $0xb8;
	[tilespmem:$0x10100] =	vst v63  }
0x129: {  	_ = 	snop  }
0x12a: {  	[tilespmem:s13], [sflag:$0x1] =	stream.indirect.gather [hbm4b:s5+s19], $0x80, s2, s19, $0xb8;
	[tilespmem:$0x10100] =	vst v63  }
0x12b: {  	_ = 	snop  }
0x12c: {  	[tilespmem:s12], [sflag:$0x1] =	stream.indirect.gather [hbm4b:s6+s19], $0x80, s19, s19, $0xb8;
	[tilespmem:$0x10100] =	vst v63  }
0x12d: {  	_ =	swait.ge [sflag:s16], $0x4000  }
0x12e: {  	[sflag:s16] =	ssyncset.done $0x0  }
0x12f: {  	[sflag:s16] =	ssyncadd.s32 $0xFFFFC000  }
0x130: {  	_ =	swait.ge [sflag:s16], $0x4000  }
0x131: {  	[sflag:s16] =	ssyncset.done $0x0  }
0x132: {  	[sflag:s16] =	ssyncadd.s32 $0xFFFFC000  }
0x133: {  	_ =	swait.ge [sflag:s16], $0x4000  }
0x134: {  	[sflag:s16] =	ssyncset.done $0x0  }
0x135: {  	[sflag:s16] =	ssyncadd.s32 $0xFFFFC000  }
0x136: {  	_ =	swait.ge [sflag:s16], $0x4000  }
0x137: {  	[sflag:s16] =	ssyncset.done $0x0  }
0x138: {  	[sflag:s16] =	ssyncadd.s32 $0xFFFFC000  }
0x139: {  	[hbm4b:s23+s2] =	stream.linear.scatter [tilespmem:s15], [sflag:$0x2], $0x4000, $0x38;
	[tilespmem:$0x10100] =	vst v63  }
0x13a: {  	_ =	swait.ge [sflag:s7], $0x4000  }
0x13b: {  	[sflag:s7] =	ssyncset.done $0x0  }
0x13c: {  	[sflag:s7] =	ssyncadd.s32 $0xFFFFC000  }
0x13d: {  	[hbm4b:s21+s2] =	stream.linear.scatter [tilespmem:s14], [sflag:$0x2], $0x4000, $0x38;
	[tilespmem:$0x10100] =	vst v63  }
0x13e: {  	_ =	swait.ge [sflag:s7], $0x4000  }
0x13f: {  	[sflag:s7] =	ssyncset.done $0x0  }
0x140: {  	[sflag:s7] =	ssyncadd.s32 $0xFFFFC000  }
0x141: {  	[hbm4b:s22+s2] =	stream.linear.scatter [tilespmem:s13], [sflag:$0x2], $0x4000, $0x38;
	[tilespmem:$0x10100] =	vst v63  }
0x142: {  	_ =	swait.ge [sflag:s7], $0x4000  }
0x143: {  	[sflag:s7] =	ssyncset.done $0x0  }
0x144: {  	[sflag:s7] =	ssyncadd.s32 $0xFFFFC000  }
0x145: {  	[hbm4b:s20+s2] =	stream.linear.scatter [tilespmem:s12], [sflag:$0x2], $0x4000, $0x38;
	[tilespmem:$0x10100] =	vst v63  }
0x146: {  	_ =	swait.ge [sflag:s7], $0x4000  }
0x147: {  	[sflag:s7] =	ssyncset.done $0x0  }
0x148: {  	[sflag:s7] =	ssyncadd.s32 $0xFFFFC000  }
0x149: {  	[tilespmem:s2], [sflag:$0x2] =	stream.linear.gather [hbm4b:s18+s2], $0x80, $0x38;
	[tilespmem:$0x10100] =	vst v63  }
0x14a: {  	_ =	swait.ge [sflag:s7], $0x80  }
0x14b: {  	[sflag:s7] =	ssyncset.done $0x0  }
0x14c: {  	[sflag:s7] =	ssyncadd.s32 $0xFFFFFF80  }
0x14d: {  	[tilespmem:s19], [sflag:$0x2] =	stream.linear.gather [hbm4b:s17+s2], $0x80, $0x38;
	[tilespmem:$0x10100] =	vst v63  }
0x14e: {  	_ =	swait.ge [sflag:s7], $0x80  }
0x14f: {  	[sflag:s7] =	ssyncset.done $0x0  }
0x150: {  	[sflag:s7] =	ssyncadd.s32 $0xFFFFFF80  }
0x151: {  	[tilespmem:s15], [sflag:$0x1] =	stream.indirect.gather [hbm4b:s3+s19], $0x80, s2, s19, $0xb8;
	[tilespmem:$0x10100] =	vst v63  }
0x152: {  	_ = 	snop  }
0x153: {  	[tilespmem:s14], [sflag:$0x1] =	stream.indirect.gather [hbm4b:s4+s19], $0x80, s19, s19, $0xb8;
	[tilespmem:$0x10100] =	vst v63  }
0x154: {  	_ = 	snop  }
0x155: {  	[tilespmem:s13], [sflag:$0x1] =	stream.indirect.gather [hbm4b:s5+s19], $0x80, s2, s19, $0xb8;
	[tilespmem:$0x10100] =	vst v63  }
0x156: {  	_ = 	snop  }
0x157: {  	[tilespmem:s12], [sflag:$0x1] =	stream.indirect.gather [hbm4b:s6+s19], $0x80, s19, s19, $0xb8;
	[tilespmem:$0x10100] =	vst v63  }
0x158: {  	_ =	swait.ge [sflag:s16], $0x4000  }
0x159: {  	[sflag:s16] =	ssyncset.done $0x0  }
0x15a: {  	[sflag:s16] =	ssyncadd.s32 $0xFFFFC000  }
0x15b: {  	_ =	swait.ge [sflag:s16], $0x4000  }
0x15c: {  	[sflag:s16] =	ssyncset.done $0x0  }
0x15d: {  	[sflag:s16] =	ssyncadd.s32 $0xFFFFC000  }
0x15e: {  	_ =	swait.ge [sflag:s16], $0x4000  }
0x15f: {  	[sflag:s16] =	ssyncset.done $0x0  }
0x160: {  	[sflag:s16] =	ssyncadd.s32 $0xFFFFC000  }
0x161: {  	_ =	swait.ge [sflag:s16], $0x4000  }
0x162: {  	[sflag:s16] =	ssyncset.done $0x0  }
0x163: {  	[sflag:s16] =	ssyncadd.s32 $0xFFFFC000  }
0x164: {  	[hbm4b:s11+s2] =	stream.linear.scatter [tilespmem:s15], [sflag:$0x2], $0x4000, $0x38;
	[tilespmem:$0x10100] =	vst v63  }
0x165: {  	_ =	swait.ge [sflag:s7], $0x4000  }
0x166: {  	[sflag:s7] =	ssyncset.done $0x0  }
0x167: {  	[sflag:s7] =	ssyncadd.s32 $0xFFFFC000  }
0x168: {  	[hbm4b:s10+s2] =	stream.linear.scatter [tilespmem:s14], [sflag:$0x2], $0x4000, $0x38;
	[tilespmem:$0x10100] =	vst v63  }
0x169: {  	_ =	swait.ge [sflag:s7], $0x4000  }
0x16a: {  	[sflag:s7] =	ssyncset.done $0x0  }
0x16b: {  	[sflag:s7] =	ssyncadd.s32 $0xFFFFC000  }
0x16c: {  	[hbm4b:s9+s2] =	stream.linear.scatter [tilespmem:s13], [sflag:$0x2], $0x4000, $0x38;
	[tilespmem:$0x10100] =	vst v63  }
0x16d: {  	p1 =	sne.s32 s0, $0x1;
	_ =	swait.ge [sflag:s7], $0x4000  }
.Ltmp2:
0x16e: {  	[sflag:s7] =	ssyncset.done $0x0;
	(pc) =	sbr.rel @p1 .LBB2_2-.Ltmp2, $4  }
0x16f: {  	[sflag:s7] =	ssyncadd.s32 $0xFFFFC000  }
0x170: {  	[hbm4b:s8+s2] =	stream.linear.scatter [tilespmem:s12], [sflag:$0x2], $0x4000, $0x38;
	[tilespmem:$0x10100] =	vst v63  }
0x171: {  	_ =	swait.ge [sflag:s7], $0x4000  }
0x172: {  	s0 =	sadd.s32 $0xFFFFFFFF, s0;
	s1 =	rddreg [dreg:$0x3];
	[sflag:s7] =	ssyncset.done $0x0  }
.LBB2_3:
0x173: {  	[sflag:s7] =	ssyncadd.s32 @p0 $0xFFFFC000  }
0x174: {  	[tilespmem:s2], [sflag:$0x2] =	stream.linear.gather [hbm4b:s1+s2], $0x80, $0x38;
	[tilespmem:$0x10100] =	vst v63  }
0x175: {  	_ =	swait.ge [sflag:s7], $0x80  }
0x176: {  	[sflag:s7] =	ssyncset.done $0x0  }
0x177: {  	s0 =	rddreg [dreg:$0x4];
	[sflag:s7] =	ssyncadd.s32 $0xFFFFFF80  }
0x178: {  	[tilespmem:s19], [sflag:$0x2] =	stream.linear.gather [hbm4b:s0+s2], $0x80, $0x38;
	[tilespmem:$0x10100] =	vst v63  }
0x179: {  	_ =	swait.ge [sflag:s7], $0x80  }
0x17a: {  	[sflag:s7] =	ssyncset.done $0x0  }
0x17b: {  	[sflag:s7] =	ssyncadd.s32 $0xFFFFFF80  }
0x17c: {  	[tilespmem:s15], [sflag:$0x1] =	stream.indirect.gather [hbm4b:s3+s19], $0x80, s2, s19, $0xb8;
	[tilespmem:$0x10100] =	vst v63  }
0x17d: {  	_ = 	snop  }
0x17e: {  	[tilespmem:s14], [sflag:$0x1] =	stream.indirect.gather [hbm4b:s4+s19], $0x80, s19, s19, $0xb8;
	[tilespmem:$0x10100] =	vst v63  }
0x17f: {  	_ = 	snop  }
0x180: {  	[tilespmem:s13], [sflag:$0x1] =	stream.indirect.gather [hbm4b:s5+s19], $0x80, s2, s19, $0xb8;
	[tilespmem:$0x10100] =	vst v63  }
0x181: {  	_ = 	snop  }
0x182: {  	[tilespmem:s12], [sflag:$0x1] =	stream.indirect.gather [hbm4b:s6+s19], $0x80, s19, s19, $0xb8;
	[tilespmem:$0x10100] =	vst v63  }
0x183: {  	_ =	swait.ge [sflag:s16], $0x4000  }
0x184: {  	[sflag:s16] =	ssyncset.done $0x0  }
0x185: {  	[sflag:s16] =	ssyncadd.s32 $0xFFFFC000  }
0x186: {  	_ =	swait.ge [sflag:s16], $0x4000  }
0x187: {  	[sflag:s16] =	ssyncset.done $0x0  }
0x188: {  	[sflag:s16] =	ssyncadd.s32 $0xFFFFC000  }
0x189: {  	_ =	swait.ge [sflag:s16], $0x4000  }
0x18a: {  	[sflag:s16] =	ssyncset.done $0x0  }
0x18b: {  	[sflag:s16] =	ssyncadd.s32 $0xFFFFC000  }
0x18c: {  	_ =	swait.ge [sflag:s16], $0x4000  }
0x18d: {  	[sflag:s16] =	ssyncset.done $0x0  }
0x18e: {  	s1 =	rddreg [dreg:$0x5];
	[sflag:s16] =	ssyncadd.s32 $0xFFFFC000  }
0x18f: {  	[hbm4b:s1+s2] =	stream.linear.scatter [tilespmem:s15], [sflag:$0x2], $0x4000, $0x38;
	[tilespmem:$0x10100] =	vst v63  }
0x190: {  	_ =	swait.ge [sflag:s7], $0x4000  }
0x191: {  	[sflag:s7] =	ssyncset.done $0x0  }
0x192: {  	s1 =	rddreg [dreg:$0x6];
	[sflag:s7] =	ssyncadd.s32 $0xFFFFC000  }
0x193: {  	[hbm4b:s1+s2] =	stream.linear.scatter [tilespmem:s14], [sflag:$0x2], $0x4000, $0x38;
	[tilespmem:$0x10100] =	vst v63  }
0x194: {  	_ =	swait.ge [sflag:s7], $0x4000  }
0x195: {  	[sflag:s7] =	ssyncset.done $0x0  }
0x196: {  	s1 =	rddreg [dreg:$0x7];
	[sflag:s7] =	ssyncadd.s32 $0xFFFFC000  }
0x197: {  	[hbm4b:s1+s2] =	stream.linear.scatter [tilespmem:s13], [sflag:$0x2], $0x4000, $0x38;
	[tilespmem:$0x10100] =	vst v63  }
0x198: {  	_ =	swait.ge [sflag:s7], $0x4000  }
0x199: {  	[sflag:s7] =	ssyncset.done $0x0  }
0x19a: {  	s1 =	rddreg [dreg:$0x8];
	[sflag:s7] =	ssyncadd.s32 $0xFFFFC000  }
0x19b: {  	[hbm4b:s1+s2] =	stream.linear.scatter [tilespmem:s12], [sflag:$0x2], $0x4000, $0x38;
	[tilespmem:$0x10100] =	vst v63  }
0x19c: {  	_ =	swait.ge [sflag:s7], $0x4000  }
0x19d: {  	[sflag:s7] =	ssyncset.done $0x0  }
0x19e: {  	s1 =	rddreg [dreg:$0x9];
	[sflag:s7] =	ssyncadd.s32 $0xFFFFC000  }
0x19f: {  	[tilespmem:s2], [sflag:$0x2] =	stream.linear.gather [hbm4b:s1+s2], $0x80, $0x38;
	[tilespmem:$0x10100] =	vst v63  }
0x1a0: {  	_ =	swait.ge [sflag:s7], $0x80  }
0x1a1: {  	[sflag:s7] =	ssyncset.done $0x0  }
0x1a2: {  	[sflag:s7] =	ssyncadd.s32 $0xFFFFFF80  }
0x1a3: {  	[tilespmem:s19], [sflag:$0x2] =	stream.linear.gather [hbm4b:s31+s2], $0x80, $0x38;
	[tilespmem:$0x10100] =	vst v63  }
0x1a4: {  	_ =	swait.ge [sflag:s7], $0x80  }
0x1a5: {  	[sflag:s7] =	ssyncset.done $0x0  }
0x1a6: {  	[sflag:s7] =	ssyncadd.s32 $0xFFFFFF80  }
0x1a7: {  	[tilespmem:s15], [sflag:$0x1] =	stream.indirect.gather [hbm4b:s3+s19], $0x80, s2, s19, $0xb8;
	[tilespmem:$0x10100] =	vst v63  }
0x1a8: {  	_ = 	snop  }
0x1a9: {  	[tilespmem:s14], [sflag:$0x1] =	stream.indirect.gather [hbm4b:s4+s19], $0x80, s19, s19, $0xb8;
	[tilespmem:$0x10100] =	vst v63  }
0x1aa: {  	_ = 	snop  }
0x1ab: {  	[tilespmem:s13], [sflag:$0x1] =	stream.indirect.gather [hbm4b:s5+s19], $0x80, s2, s19, $0xb8;
	[tilespmem:$0x10100] =	vst v63  }
0x1ac: {  	_ = 	snop  }
0x1ad: {  	[tilespmem:s12], [sflag:$0x1] =	stream.indirect.gather [hbm4b:s6+s19], $0x80, s19, s19, $0xb8;
	[tilespmem:$0x10100] =	vst v63  }
0x1ae: {  	_ =	swait.ge [sflag:s16], $0x4000  }
0x1af: {  	[sflag:s16] =	ssyncset.done $0x0  }
0x1b0: {  	[sflag:s16] =	ssyncadd.s32 $0xFFFFC000  }
0x1b1: {  	_ =	swait.ge [sflag:s16], $0x4000  }
0x1b2: {  	[sflag:s16] =	ssyncset.done $0x0  }
0x1b3: {  	[sflag:s16] =	ssyncadd.s32 $0xFFFFC000  }
0x1b4: {  	_ =	swait.ge [sflag:s16], $0x4000  }
0x1b5: {  	[sflag:s16] =	ssyncset.done $0x0  }
0x1b6: {  	[sflag:s16] =	ssyncadd.s32 $0xFFFFC000  }
0x1b7: {  	_ =	swait.ge [sflag:s16], $0x4000  }
0x1b8: {  	[sflag:s16] =	ssyncset.done $0x0  }
0x1b9: {  	[sflag:s16] =	ssyncadd.s32 $0xFFFFC000  }
0x1ba: {  	[hbm4b:s30+s2] =	stream.linear.scatter [tilespmem:s15], [sflag:$0x2], $0x4000, $0x38;
	[tilespmem:$0x10100] =	vst v63  }
0x1bb: {  	_ =	swait.ge [sflag:s7], $0x4000  }
0x1bc: {  	[sflag:s7] =	ssyncset.done $0x0  }
0x1bd: {  	[sflag:s7] =	ssyncadd.s32 $0xFFFFC000  }
0x1be: {  	[hbm4b:s29+s2] =	stream.linear.scatter [tilespmem:s14], [sflag:$0x2], $0x4000, $0x38;
	[tilespmem:$0x10100] =	vst v63  }
0x1bf: {  	_ =	swait.ge [sflag:s7], $0x4000  }
0x1c0: {  	[sflag:s7] =	ssyncset.done $0x0  }
0x1c1: {  	[sflag:s7] =	ssyncadd.s32 $0xFFFFC000  }
0x1c2: {  	[hbm4b:s28+s2] =	stream.linear.scatter [tilespmem:s13], [sflag:$0x2], $0x4000, $0x38;
	[tilespmem:$0x10100] =	vst v63  }
0x1c3: {  	_ =	swait.ge [sflag:s7], $0x4000  }
0x1c4: {  	[sflag:s7] =	ssyncset.done $0x0  }
0x1c5: {  	[sflag:s7] =	ssyncadd.s32 $0xFFFFC000  }
0x1c6: {  	[hbm4b:s26+s2] =	stream.linear.scatter [tilespmem:s12], [sflag:$0x2], $0x4000, $0x38;
	[tilespmem:$0x10100] =	vst v63  }
0x1c7: {  	_ =	swait.ge [sflag:s7], $0x4000  }
0x1c8: {  	[sflag:s7] =	ssyncset.done $0x0  }
0x1c9: {  	[sflag:s7] =	ssyncadd.s32 $0xFFFFC000  }
0x1ca: {  	[tilespmem:s2], [sflag:$0x2] =	stream.linear.gather [hbm4b:s25+s2], $0x80, $0x38;
	[tilespmem:$0x10100] =	vst v63  }
0x1cb: {  	_ =	swait.ge [sflag:s7], $0x80  }
0x1cc: {  	[sflag:s7] =	ssyncset.done $0x0  }
0x1cd: {  	[sflag:s7] =	ssyncadd.s32 $0xFFFFFF80  }
0x1ce: {  	[tilespmem:s19], [sflag:$0x2] =	stream.linear.gather [hbm4b:s24+s2], $0x80, $0x38;
	[tilespmem:$0x10100] =	vst v63  }
0x1cf: {  	_ =	swait.ge [sflag:s7], $0x80  }
0x1d0: {  	[sflag:s7] =	ssyncset.done $0x0  }
0x1d1: {  	[sflag:s7] =	ssyncadd.s32 $0xFFFFFF80  }
0x1d2: {  	[tilespmem:s15], [sflag:$0x1] =	stream.indirect.gather [hbm4b:s3+s19], $0x80, s2, s19, $0xb8;
	[tilespmem:$0x10100] =	vst v63  }
0x1d3: {  	_ = 	snop  }
0x1d4: {  	[tilespmem:s14], [sflag:$0x1] =	stream.indirect.gather [hbm4b:s4+s19], $0x80, s19, s19, $0xb8;
	[tilespmem:$0x10100] =	vst v63  }
0x1d5: {  	_ = 	snop  }
0x1d6: {  	[tilespmem:s13], [sflag:$0x1] =	stream.indirect.gather [hbm4b:s5+s19], $0x80, s2, s19, $0xb8;
	[tilespmem:$0x10100] =	vst v63  }
0x1d7: {  	_ = 	snop  }
0x1d8: {  	[tilespmem:s12], [sflag:$0x1] =	stream.indirect.gather [hbm4b:s6+s19], $0x80, s19, s19, $0xb8;
	[tilespmem:$0x10100] =	vst v63  }
0x1d9: {  	_ =	swait.ge [sflag:s16], $0x4000  }
0x1da: {  	[sflag:s16] =	ssyncset.done $0x0  }
0x1db: {  	[sflag:s16] =	ssyncadd.s32 $0xFFFFC000  }
0x1dc: {  	_ =	swait.ge [sflag:s16], $0x4000  }
0x1dd: {  	[sflag:s16] =	ssyncset.done $0x0  }
0x1de: {  	[sflag:s16] =	ssyncadd.s32 $0xFFFFC000  }
0x1df: {  	_ =	swait.ge [sflag:s16], $0x4000  }
0x1e0: {  	[sflag:s16] =	ssyncset.done $0x0  }
0x1e1: {  	[sflag:s16] =	ssyncadd.s32 $0xFFFFC000  }
0x1e2: {  	_ =	swait.ge [sflag:s16], $0x4000  }
0x1e3: {  	[sflag:s16] =	ssyncset.done $0x0  }
0x1e4: {  	[sflag:s16] =	ssyncadd.s32 $0xFFFFC000  }
0x1e5: {  	[hbm4b:s23+s2] =	stream.linear.scatter [tilespmem:s15], [sflag:$0x2], $0x4000, $0x38;
	[tilespmem:$0x10100] =	vst v63  }
0x1e6: {  	_ =	swait.ge [sflag:s7], $0x4000  }
0x1e7: {  	[sflag:s7] =	ssyncset.done $0x0  }
0x1e8: {  	[sflag:s7] =	ssyncadd.s32 $0xFFFFC000  }
0x1e9: {  	[hbm4b:s21+s2] =	stream.linear.scatter [tilespmem:s14], [sflag:$0x2], $0x4000, $0x38;
	[tilespmem:$0x10100] =	vst v63  }
0x1ea: {  	_ =	swait.ge [sflag:s7], $0x4000  }
0x1eb: {  	[sflag:s7] =	ssyncset.done $0x0  }
0x1ec: {  	[sflag:s7] =	ssyncadd.s32 $0xFFFFC000  }
0x1ed: {  	[hbm4b:s22+s2] =	stream.linear.scatter [tilespmem:s13], [sflag:$0x2], $0x4000, $0x38;
	[tilespmem:$0x10100] =	vst v63  }
0x1ee: {  	_ =	swait.ge [sflag:s7], $0x4000  }
0x1ef: {  	[sflag:s7] =	ssyncset.done $0x0  }
0x1f0: {  	[sflag:s7] =	ssyncadd.s32 $0xFFFFC000  }
0x1f1: {  	[hbm4b:s20+s2] =	stream.linear.scatter [tilespmem:s12], [sflag:$0x2], $0x4000, $0x38;
	[tilespmem:$0x10100] =	vst v63  }
0x1f2: {  	_ =	swait.ge [sflag:s7], $0x4000  }
0x1f3: {  	[sflag:s7] =	ssyncset.done $0x0  }
0x1f4: {  	[sflag:s7] =	ssyncadd.s32 $0xFFFFC000  }
0x1f5: {  	[tilespmem:s2], [sflag:$0x2] =	stream.linear.gather [hbm4b:s18+s2], $0x80, $0x38;
	[tilespmem:$0x10100] =	vst v63  }
0x1f6: {  	_ =	swait.ge [sflag:s7], $0x80  }
0x1f7: {  	[sflag:s7] =	ssyncset.done $0x0  }
0x1f8: {  	[sflag:s7] =	ssyncadd.s32 $0xFFFFFF80  }
0x1f9: {  	[tilespmem:s19], [sflag:$0x2] =	stream.linear.gather [hbm4b:s17+s2], $0x80, $0x38;
	[tilespmem:$0x10100] =	vst v63  }
0x1fa: {  	_ =	swait.ge [sflag:s7], $0x80  }
0x1fb: {  	[sflag:s7] =	ssyncset.done $0x0  }
0x1fc: {  	[sflag:s7] =	ssyncadd.s32 $0xFFFFFF80  }
0x1fd: {  	[tilespmem:s15], [sflag:$0x1] =	stream.indirect.gather [hbm4b:s3+s19], $0x80, s2, s19, $0xb8;
	[tilespmem:$0x10100] =	vst v63  }
0x1fe: {  	_ = 	snop  }
0x1ff: {  	[tilespmem:s14], [sflag:$0x1] =	stream.indirect.gather [hbm4b:s4+s19], $0x80, s19, s19, $0xb8;
	[tilespmem:$0x10100] =	vst v63  }
0x200: {  	_ = 	snop  }
0x201: {  	[tilespmem:s13], [sflag:$0x1] =	stream.indirect.gather [hbm4b:s5+s19], $0x80, s2, s19, $0xb8;
	[tilespmem:$0x10100] =	vst v63  }
0x202: {  	_ = 	snop  }
0x203: {  	[tilespmem:s12], [sflag:$0x1] =	stream.indirect.gather [hbm4b:s6+s19], $0x80, s19, s19, $0xb8;
	[tilespmem:$0x10100] =	vst v63  }
0x204: {  	_ =	swait.ge [sflag:s16], $0x4000  }
0x205: {  	[sflag:s16] =	ssyncset.done $0x0  }
0x206: {  	[sflag:s16] =	ssyncadd.s32 $0xFFFFC000  }
0x207: {  	_ =	swait.ge [sflag:s16], $0x4000  }
0x208: {  	[sflag:s16] =	ssyncset.done $0x0  }
0x209: {  	[sflag:s16] =	ssyncadd.s32 $0xFFFFC000  }
0x20a: {  	_ =	swait.ge [sflag:s16], $0x4000  }
0x20b: {  	[sflag:s16] =	ssyncset.done $0x0  }
0x20c: {  	[sflag:s16] =	ssyncadd.s32 $0xFFFFC000  }
0x20d: {  	_ =	swait.ge [sflag:s16], $0x4000  }
0x20e: {  	[sflag:s16] =	ssyncset.done $0x0  }
0x20f: {  	[sflag:s16] =	ssyncadd.s32 $0xFFFFC000  }
0x210: {  	[hbm4b:s11+s2] =	stream.linear.scatter [tilespmem:s15], [sflag:$0x2], $0x4000, $0x38;
	[tilespmem:$0x10100] =	vst v63  }
0x211: {  	_ =	swait.ge [sflag:s7], $0x4000  }
0x212: {  	[sflag:s7] =	ssyncset.done $0x0  }
0x213: {  	[sflag:s7] =	ssyncadd.s32 $0xFFFFC000  }
0x214: {  	[hbm4b:s10+s2] =	stream.linear.scatter [tilespmem:s14], [sflag:$0x2], $0x4000, $0x38;
	[tilespmem:$0x10100] =	vst v63  }
0x215: {  	_ =	swait.ge [sflag:s7], $0x4000  }
0x216: {  	[sflag:s7] =	ssyncset.done $0x0  }
0x217: {  	[sflag:s7] =	ssyncadd.s32 $0xFFFFC000  }
0x218: {  	[hbm4b:s9+s2] =	stream.linear.scatter [tilespmem:s13], [sflag:$0x2], $0x4000, $0x38;
	[tilespmem:$0x10100] =	vst v63  }
0x219: {  	_ =	swait.ge [sflag:s7], $0x4000  }
0x21a: {  	[sflag:s7] =	ssyncset.done $0x0  }
0x21b: {  	[sflag:s7] =	ssyncadd.s32 $0xFFFFC000  }
0x21c: {  	[hbm4b:s8+s2] =	stream.linear.scatter [tilespmem:s12], [sflag:$0x2], $0x4000, $0x38;
	[tilespmem:$0x10100] =	vst v63  }
0x21d: {  	_ =	swait.ge [sflag:s7], $0x4000  }
0x21e: {  	[sflag:s7] =	ssyncset.done $0x0  }
0x21f: {  	[sflag:s7] =	ssyncadd.s32 $0xFFFFC000  }
0x220: {  	_ =	sfence.sel $0x180000  }
0x221: {  	[bflag:$0x0] =	sbarrier.arrive $0xFFFF  }
0x222: {  	_ =	strace $0x90000047  }
0x223: {  	s31 =	stileid.u32;
	[bflag:$0x2] =	sbarrier.arrive $0xFFFF  }
0x224: {  	p0 =	sne.s32 s31, $0x0;
	s0 =	rddreg [dreg:$0x2]  }
0x225: {  	s0 =	sadd.s32 @!p0 $0x100000, s0  }
0x226: {  	[sflag:s0] =	ssyncadd.tile.s32 @!p0 $0x1;
	_ =	shalt  }
.Lfunc_end2:
_tile_overlayer_lowered:
.L_overlay_start_2:
0x227: {  	(tag) =	ssettag $0x2  }
0x228: {  	s0 =	rddreg [dreg:$0x0];
	s2 =	stileid.u32  }
0x229: {  	s1 =	rddreg [dreg:$0x1];
	p0 =	sne.s32 s2, $0x0  }
0x22a: {  	s3 =	rddreg [dreg:$0x2];
	[bflag:$0x3] =	sbarrier.arrive $0xFFFF;
	s2 =	simm.s32 @!p0 $0x1C02  }
0x22b: {  	[timem:s3], [sflag:s2] =	dma.local @!p0 [hbm:s0], s1  }
0x22c: {  	s0 =	simm.s32 @!p0 $0x2  }
0x22d: {  	_ =	swait.ge @!p0 [sflag:s0], s1  }
0x22e: {  	s1 =	ssub.s32 @!p0 $0x0, s1;
	[sflag:s0] =	ssyncset.done @!p0 $0x0  }
0x22f: {  	[sflag:s0] =	ssyncadd.s32 @!p0 s1  }
0x230: {  	[bflag:$0x3] =	sbarrier.arrive $0xFFFF  }
0x231: {  	_ =	shalt  }

</sc_bundles>
